<compile_context>
chip_gen: v7x
topology: tpu7x:2x2x1
jax: 0.10.2.dev20260603
libtpu: 0.0.44.dev20260713+nightly
codegen_flags: <defaults>
</compile_context>

<pallas_src>
import functools

import jax
import jax.numpy as jnp
from jax import lax
from jax.experimental import pallas as pl
from jax.experimental.pallas import tpu as pltpu
from jax.experimental.pallas import tpu_sc as plsc

_MARGIN = 0.2
_B = 512
_L = 16
_NC = 2
_NS = 16
_NW = _NC * _NS
_ROWS = _B // _NW
_NCHUNK = _B // _L
_HUGE = 3e38


def _pairdist_body(e_ref, d_ref):
    e = e_ref[...]
    r = jnp.sum(e * e, axis=1)
    g = lax.dot_general(e, e, (((1,), (1,)), ((), ())),
                        preferred_element_type=jnp.float32)
    d_ref[...] = r[:, None] + r[None, :] - 2.0 * g


def _pair_distances(embeddings):
    return pl.pallas_call(
        _pairdist_body,
        out_shape=jax.ShapeDtypeStruct((_B, _B), jnp.float32),
    )(embeddings)


def _sc_body(d_hbm, lab_hbm, loss_out, cnt_out,
             lab_v, drows_v, dneg_v, tpos_v, lstage, cstage,
             sem1, sem2, sem3):
    cid = lax.axis_index("c")
    sid = lax.axis_index("s")
    wid = cid * _NS + sid

    half = (_ROWS // 2) * _B
    base = wid * _ROWS * _B
    cp1 = pltpu.make_async_copy(
        d_hbm.at[pl.ds(base, half)], drows_v.at[pl.ds(0, half)], sem1)
    cp2 = pltpu.make_async_copy(lab_hbm, lab_v.at[pl.ds(0, _B)], sem2)
    cp3 = pltpu.make_async_copy(
        d_hbm.at[pl.ds(base + half, half)],
        drows_v.at[pl.ds(half, half)], sem3)
    cp1.start()
    cp2.start()
    cp3.start()
    cp1.wait()
    cp2.wait()

    iot = lax.iota(jnp.int32, _L)

    def anchor_body(a_local, carry):
        acc, acc2v, nt = carry
        a = wid * _ROWS + a_local
        la = lab_v[pl.ds(a, _L)][0]
        rbase = a_local * _B

        def p1(c, np_v):
            off = c * _L
            labv = lab_v[pl.ds(off, _L)]
            dv = drows_v[pl.ds(rbase + off, _L)]
            jidx = iot + off
            posm = (labv == la) & (jidx != a)
            negm = labv != la
            dneg_v[pl.ds(off, _L)] = jnp.where(negm, dv, jnp.float32(_HUGE))
            plsc.store_compressed(tpos_v.at[pl.ds(np_v[0], _L)], dv,
                                  mask=posm)
            return np_v + plsc.all_reduce_population_count(posm)

        np_v = lax.fori_loop(0, _NCHUNK, p1, jnp.zeros((_L,), jnp.int32),
                             unroll=8)
        npos = np_v[0]
        nt = nt + npos * (jnp.int32(_B - 1) - npos)

        def per_pos(k, accs):
            a0, a1 = accs
            t = tpos_v[pl.ds(k, _L)][0] + jnp.float32(_MARGIN)

            def inner(cn, accs2):
                b0, b1 = accs2
                off2 = cn * 2 * _L
                dn0 = dneg_v[pl.ds(off2, _L)]
                dn1 = dneg_v[pl.ds(off2 + _L, _L)]
                b0 = b0 + jnp.maximum(t - dn0, jnp.float32(0.0))
                b1 = b1 + jnp.maximum(t - dn1, jnp.float32(0.0))
                return (b0, b1)

            return lax.fori_loop(0, _NCHUNK // 2, inner, (a0, a1), unroll=4)

        acc, acc2v = lax.fori_loop(0, npos, per_pos, (acc, acc2v))
        return (acc, acc2v, nt)

    acc0 = jnp.zeros((_L,), jnp.float32)
    carry = lax.fori_loop(
        0, _ROWS // 2, anchor_body, (acc0, acc0, jnp.int32(0)))
    cp3.wait()
    acc, acc2v, nt = lax.fori_loop(_ROWS // 2, _ROWS, anchor_body, carry)
    acc = acc + acc2v

    lstage[...] = acc
    cstage[...] = jnp.where(iot == 0, nt, jnp.int32(0))
    pltpu.sync_copy(lstage, loss_out.at[wid])
    pltpu.sync_copy(cstage, cnt_out.at[wid])


def _mine_and_reduce(d, labels):
    mesh = plsc.VectorSubcoreMesh(core_axis_name="c", subcore_axis_name="s")
    f = functools.partial(
        pl.kernel,
        mesh=mesh,
        out_type=[
            jax.ShapeDtypeStruct((_NW, _L), jnp.float32),
            jax.ShapeDtypeStruct((_NW, _L), jnp.int32),
        ],
        scratch_types=[
            pltpu.VMEM((_B + _L,), jnp.int32),
            pltpu.VMEM((_ROWS * _B,), jnp.float32),
            pltpu.VMEM((_B,), jnp.float32),
            pltpu.VMEM((_B + _L,), jnp.float32),
            pltpu.VMEM((_L,), jnp.float32),
            pltpu.VMEM((_L,), jnp.int32),
            pltpu.SemaphoreType.DMA,
            pltpu.SemaphoreType.DMA,
            pltpu.SemaphoreType.DMA,
        ],
        compiler_params=pltpu.CompilerParams(needs_layout_passes=False),
    )(_sc_body)
    return f(d.reshape(_B * _B), labels)


def kernel(embeddings, labels):
    d = _pair_distances(embeddings)
    loss_p, cnt_p = _mine_and_reduce(d, labels.astype(jnp.int32))
    return jnp.sum(loss_p) / jnp.sum(cnt_p)

# --- scband reference (transcript-rebuilt; emitter-appended) ---
"""Pipeline reference for scband-online-triplet-loss-19576460935202 (READ-ONLY COPY).

The authoritative reference and input builder live on the scoring server;
editing this copy changes nothing except your own understanding.
"""

import jax, jax.numpy as jnp
import numpy as np

MARGIN = 0.2


def setup_inputs(seed: int = 0) -> dict:
    key = jax.random.key(seed)
    k1, k2 = jax.random.split(key)
    embeddings = jax.random.normal(k1, (512, 128), dtype=jnp.float32)
    labels = jax.random.randint(k2, (512,), 0, 128)
    return {"embeddings": embeddings, "labels": labels}


def _make_pair_idxmasks(labels):
    batch_size = labels.shape[0]
    same_index = jnp.eye(batch_size, dtype=bool)
    diff_index = ~same_index
    same_label = labels[:, None] == labels[None, :]
    diff_label = ~same_label
    pos_idxmask = diff_index & same_label
    neg_idxmask = diff_index & diff_label
    return pos_idxmask, neg_idxmask


def _make_triplet_idxmask(labels):
    pos_idxmask, neg_idxmask = _make_pair_idxmasks(labels)
    pos_idxmask = pos_idxmask[:, :, None]
    neg_idxmask = neg_idxmask[:, None, :]
    return pos_idxmask & neg_idxmask


def make_triplet_ids(labels, mode='batch_all'):
    triplet_idxmask = _make_triplet_idxmask(labels)
    if mode == 'batch_all':
        a, p, n = jnp.nonzero(triplet_idxmask)
        triplet_ids = jnp.stack([a, p, n], axis=1)
    else:
        raise ValueError(f'Invalid triplet mining mode: {mode}')
    return triplet_ids


def reference(embeddings, labels):
    triplet_idxmask = _make_triplet_idxmask(labels)
    pair_terms = (embeddings[:, None, :] - embeddings[None, :, :]) ** 2
    pair_distances = pair_terms.sum(axis=2)
    ap_distances = pair_distances[:, :, None]
    an_distances = pair_distances[:, None, :]
    loss_terms = jax.nn.relu(ap_distances - an_distances + MARGIN)
    masked_terms = jnp.where(triplet_idxmask, loss_terms, 0.0)
    num_triplets = triplet_idxmask.sum()
    loss = masked_terms.sum() / num_triplets
    return loss

if __name__ == "__main__":
    import jax
    _d = setup_inputs()
    print(jax.jit(kernel)(*tuple(_d.values())))

</pallas_src>

<mosaic_0001>
#map = affine_map<(d0, d1) -> (0)>
#map1 = affine_map<(d0, d1) -> (0, 0)>
module attributes {stable_mosaic.version = 14 : i64} {
  func.func @_sc_body(%arg0: i32, %arg1: i32, %arg2: memref<262144xf32, #tpu.memory_space<hbm>>, %arg3: memref<512xi32, #tpu.memory_space<hbm>>, %arg4: memref<32x16xf32, #tpu.memory_space<hbm>>, %arg5: memref<32x16xi32, #tpu.memory_space<hbm>>, %arg6: memref<528xi32, #tpu.memory_space<vmem>>, %arg7: memref<8192xf32, #tpu.memory_space<vmem>>, %arg8: memref<512xf32, #tpu.memory_space<vmem>>, %arg9: memref<528xf32, #tpu.memory_space<vmem>>, %arg10: memref<16xf32, #tpu.memory_space<vmem>>, %arg11: memref<16xi32, #tpu.memory_space<vmem>>, %arg12: memref<!tpu.dma_semaphore, #tpu.memory_space<semaphore_mem>>, %arg13: memref<!tpu.dma_semaphore, #tpu.memory_space<semaphore_mem>>, %arg14: memref<!tpu.dma_semaphore, #tpu.memory_space<semaphore_mem>>) attributes {dimension_semantics = [#tpu.dimension_semantics<core_parallel>, #tpu.dimension_semantics<subcore_parallel>], iteration_bounds = array<i64: 2, 16>, scalar_prefetch = 0 : i64, scratch_operands = 9 : i64, tpu.core_type = #tpu.core_type<sc_vector_subcore>, window_params = [{transform_indices = #map}, {transform_indices = #map}, {transform_indices = #map1}, {transform_indices = #map1}]} {
    %mul3A = arith.constant 16 : i32
    %mul3A_0 = arith.muli %arg0, %mul3A : i32
    %add3A = arith.addi %mul3A_0, %arg1 : i32
    %mul3A_1 = arith.constant 16 : i32
    %mul3A_2 = arith.muli %add3A, %mul3A_1 : i32
    %mul3A_3 = arith.constant 512 : i32
    %mul3A_4 = arith.muli %mul3A_2, %mul3A_3 : i32
    %add3A_5 = arith.constant 4096 : i32
    %add3A_6 = arith.addi %mul3A_4, %add3A_5 : i32
    %dma_start3A = arith.constant 0 : i32
    %dma_start3A_7 = tpu.memref_slice %arg7[%dma_start3A] : memref<8192xf32, #tpu.memory_space<vmem>> -> memref<4096xf32, #tpu.memory_space<vmem>>
    %dma_start3A_8 = tpu.memref_slice %arg2[%mul3A_4] : memref<262144xf32, #tpu.memory_space<hbm>> -> memref<4096xf32, #tpu.memory_space<hbm>>
    %dma_start3A_9 = arith.constant 0 : i32
    %dma_start3A_10 = tpu.memref_slice %arg7[%dma_start3A_9] : memref<8192xf32, #tpu.memory_space<vmem>> -> memref<4096xf32, #tpu.memory_space<vmem>>
    %dma_start3A_11 = tpu.memref_slice %arg2[%mul3A_4] : memref<262144xf32, #tpu.memory_space<hbm>> -> memref<4096xf32, #tpu.memory_space<hbm>>
    tpu.enqueue_dma source(%dma_start3A_11 : memref<4096xf32, #tpu.memory_space<hbm>>) target(%dma_start3A_10 : memref<4096xf32, #tpu.memory_space<vmem>>) target_semaphore(%arg12 : memref<!tpu.dma_semaphore, #tpu.memory_space<semaphore_mem>>)
    %dma_start3A_12 = arith.constant 0 : i32
    %dma_start3A_13 = tpu.memref_slice %arg6[%dma_start3A_12] : memref<528xi32, #tpu.memory_space<vmem>> -> memref<512xi32, #tpu.memory_space<vmem>>
    %dma_start3A_14 = arith.constant 0 : i32
    %dma_start3A_15 = tpu.memref_slice %arg6[%dma_start3A_14] : memref<528xi32, #tpu.memory_space<vmem>> -> memref<512xi32, #tpu.memory_space<vmem>>
    tpu.enqueue_dma source(%arg3 : memref<512xi32, #tpu.memory_space<hbm>>) target(%dma_start3A_15 : memref<512xi32, #tpu.memory_space<vmem>>) target_semaphore(%arg13 : memref<!tpu.dma_semaphore, #tpu.memory_space<semaphore_mem>>)
    %dma_start3A_16 = arith.constant 4096 : i32
    %dma_start3A_17 = tpu.memref_slice %arg7[%dma_start3A_16] : memref<8192xf32, #tpu.memory_space<vmem>> -> memref<4096xf32, #tpu.memory_space<vmem>>
    %dma_start3A_18 = tpu.memref_slice %arg2[%add3A_6] : memref<262144xf32, #tpu.memory_space<hbm>> -> memref<4096xf32, #tpu.memory_space<hbm>>
    %dma_start3A_19 = arith.constant 4096 : i32
    %dma_start3A_20 = tpu.memref_slice %arg7[%dma_start3A_19] : memref<8192xf32, #tpu.memory_space<vmem>> -> memref<4096xf32, #tpu.memory_space<vmem>>
    %dma_start3A_21 = tpu.memref_slice %arg2[%add3A_6] : memref<262144xf32, #tpu.memory_space<hbm>> -> memref<4096xf32, #tpu.memory_space<hbm>>
    tpu.enqueue_dma source(%dma_start3A_21 : memref<4096xf32, #tpu.memory_space<hbm>>) target(%dma_start3A_20 : memref<4096xf32, #tpu.memory_space<vmem>>) target_semaphore(%arg14 : memref<!tpu.dma_semaphore, #tpu.memory_space<semaphore_mem>>)
    %dma_wait3A = arith.constant 0 : i32
    %dma_wait3A_22 = tpu.memref_slice %arg7[%dma_wait3A] : memref<8192xf32, #tpu.memory_space<vmem>> -> memref<4096xf32, #tpu.memory_space<vmem>>
    %dma_wait3A_23 = tpu.memref_slice %arg2[%mul3A_4] : memref<262144xf32, #tpu.memory_space<hbm>> -> memref<4096xf32, #tpu.memory_space<hbm>>
    %dma_wait3A_24 = arith.constant 0 : i32
    %dma_wait3A_25 = tpu.memref_slice %arg7[%dma_wait3A_24] : memref<8192xf32, #tpu.memory_space<vmem>> -> memref<4096xf32, #tpu.memory_space<vmem>>
    %dma_wait3A_26 = tpu.memref_slice %arg2[%mul3A_4] : memref<262144xf32, #tpu.memory_space<hbm>> -> memref<4096xf32, #tpu.memory_space<hbm>>
    tpu.wait_dma2 semaphore(%arg12 : memref<!tpu.dma_semaphore, #tpu.memory_space<semaphore_mem>>) src(%dma_wait3A_26 : memref<4096xf32, #tpu.memory_space<hbm>>) dst(%dma_wait3A_25 : memref<4096xf32, #tpu.memory_space<vmem>>)
    %dma_wait3A_27 = arith.constant 0 : i32
    %dma_wait3A_28 = tpu.memref_slice %arg6[%dma_wait3A_27] : memref<528xi32, #tpu.memory_space<vmem>> -> memref<512xi32, #tpu.memory_space<vmem>>
    %dma_wait3A_29 = arith.constant 0 : i32
    %dma_wait3A_30 = tpu.memref_slice %arg6[%dma_wait3A_29] : memref<528xi32, #tpu.memory_space<vmem>> -> memref<512xi32, #tpu.memory_space<vmem>>
    tpu.wait_dma2 semaphore(%arg13 : memref<!tpu.dma_semaphore, #tpu.memory_space<semaphore_mem>>) src(%arg3 : memref<512xi32, #tpu.memory_space<hbm>>) dst(%dma_wait3A_30 : memref<512xi32, #tpu.memory_space<vmem>>)
    %iota3A = tpu.iota {dimensions = array<i32: 0>} : vector<16xi32>
    %broadcast_in_dim3A = arith.constant 0.000000e+00 : f32
    %broadcast_in_dim3A_31 = vector.broadcast %broadcast_in_dim3A : f32 to vector<16xf32>
    %scan3A = arith.constant 0 : i32
    %scan3A_32 = arith.constant 0 : i32
    %scan3A_33 = arith.constant 8 : i32
    %scan3A_34 = arith.addi %scan3A_32, %scan3A_33 : i32
    %scan3A_35 = arith.constant 1 : i32
    %scan3A_36:3 = scf.for %scan3A_58 = %scan3A_32 to %scan3A_34 step %scan3A_35 iter_args(%scan3A_59 = %broadcast_in_dim3A_31, %scan3A_60 = %broadcast_in_dim3A_31, %scan3A_61 = %scan3A) -> (vector<16xf32>, vector<16xf32>, i32)  : i32 {
      %mul3A_62 = arith.constant 16 : i32
      %mul3A_63 = arith.muli %add3A, %mul3A_62 : i32
      %add3A_64 = arith.addi %mul3A_63, %scan3A_58 : i32
      %get3A = arith.index_cast %add3A_64 : i32 to index
      %get3A_65 = tpu.vector_load %arg6[%get3A] {strides = array<i32>} : memref<528xi32, #tpu.memory_space<vmem>>, vector<16xi32>,
      %slice3A = vector.extract_strided_slice %get3A_65 {offsets = [0], sizes = [1], strides = [1]} : vector<16xi32> to vector<1xi32>
      %squeeze3A = vector.extract %slice3A[0] : i32 from vector<1xi32>
      %mul3A_66 = arith.constant 512 : i32
      %mul3A_67 = arith.muli %scan3A_58, %mul3A_66 : i32
      %broadcast_in_dim3A_68 = arith.constant 0 : i32
      %broadcast_in_dim3A_69 = vector.broadcast %broadcast_in_dim3A_68 : i32 to vector<16xi32>
      %scan3A_70 = arith.constant 0 : i32
      %scan3A_71 = arith.constant 32 : i32
      %scan3A_72 = arith.addi %scan3A_70, %scan3A_71 : i32
      %scan3A_73 = arith.constant 8 : i32
      %scan3A_74 = scf.for %scan3A_91 = %scan3A_70 to %scan3A_72 step %scan3A_73 iter_args(%scan3A_92 = %broadcast_in_dim3A_69) -> (vector<16xi32>)  : i32 {
        %mul3A_93 = arith.constant 16 : i32
        %mul3A_94 = arith.muli %scan3A_91, %mul3A_93 : i32
        %get3A_95 = arith.index_cast %mul3A_94 : i32 to index
        %get3A_96 = tpu.vector_load %arg6[%get3A_95] {strides = array<i32>} : memref<528xi32, #tpu.memory_space<vmem>>, vector<16xi32>,
        %add3A_97 = arith.addi %mul3A_67, %mul3A_94 : i32
        %get3A_98 = arith.index_cast %add3A_97 : i32 to index
        %get3A_99 = tpu.vector_load %arg7[%get3A_98] {strides = array<i32>} : memref<8192xf32, #tpu.memory_space<vmem>>, vector<16xf32>,
        %add3A_100 = vector.broadcast %mul3A_94 : i32 to vector<16xi32>
        %add3A_101 = arith.addi %iota3A, %add3A_100 : vector<16xi32>
        %eq3A_102 = vector.broadcast %squeeze3A : i32 to vector<16xi32>
        %eq3A_103 = arith.cmpi eq, %get3A_96, %eq3A_102 : vector<16xi32>
        %ne3A = vector.broadcast %add3A_64 : i32 to vector<16xi32>
        %ne3A_104 = arith.cmpi ne, %add3A_101, %ne3A : vector<16xi32>
        %and3A = arith.andi %eq3A_103, %ne3A_104 : vector<16xi1>
        %ne3A_105 = vector.broadcast %squeeze3A : i32 to vector<16xi32>
        %ne3A_106 = arith.cmpi ne, %get3A_96, %ne3A_105 : vector<16xi32>
        %jit3A_107 = arith.constant 3.000000e+38 : f32
        %broadcast_in_dim3A_108 = vector.broadcast %jit3A_107 : f32 to vector<16xf32>
        %select_n3A_109 = arith.select %ne3A_106, %get3A_99, %broadcast_in_dim3A_108 : vector<16xi1>, vector<16xf32>
        %swap3A_110 = arith.index_cast %mul3A_94 : i32 to index
        %swap3A_111 = tpu.vector_load %arg8[%swap3A_110] {strides = array<i32>} : memref<512xf32, #tpu.memory_space<vmem>>, vector<16xf32>,
        tpu.vector_store %arg8[%swap3A_110], %select_n3A_109 {strides = array<i32>} : memref<512xf32, #tpu.memory_space<vmem>>, vector<16xf32>,
        %slice3A_112 = vector.extract_strided_slice %scan3A_92 {offsets = [0], sizes = [1], strides = [1]} : vector<16xi32> to vector<1xi32>
        %squeeze3A_113 = vector.extract %slice3A_112[0] : i32 from vector<1xi32>
        %swap3A_114 = arith.index_cast %squeeze3A_113 : i32 to index
        %swap3A_115 = tpu.vector_load %arg9[%swap3A_114] masked %and3A {strides = array<i32>} : memref<528xf32, #tpu.memory_space<vmem>>, vector<16xf32>, vector<16xi1>
        tpu.vector_store %arg9[%swap3A_114], %get3A_99 masked %and3A {strides = array<i32>} : memref<528xf32, #tpu.memory_space<vmem>>, vector<16xf32>, vector<16xi1>
        %all_reduce_population_count3A = tpu.all_reduce %and3A {dim = 0 : i64, kind = #tpu.reduction_kind<sum>} : vector<16xi1> -> vector<16xi32>
        %add3A_116 = arith.addi %scan3A_92, %all_reduce_population_count3A : vector<16xi32>
        %scan3A_117 = arith.constant 1 : i32
        %scan3A_118 = arith.addi %scan3A_91, %scan3A_117 : i32
        %mul3A_119 = arith.constant 16 : i32
        %mul3A_120 = arith.muli %scan3A_118, %mul3A_119 : i32
        %get3A_121 = arith.index_cast %mul3A_120 : i32 to index
        %get3A_122 = tpu.vector_load %arg6[%get3A_121] {strides = array<i32>} : memref<528xi32, #tpu.memory_space<vmem>>, vector<16xi32>,
        %add3A_123 = arith.addi %mul3A_67, %mul3A_120 : i32
        %get3A_124 = arith.index_cast %add3A_123 : i32 to index
        %get3A_125 = tpu.vector_load %arg7[%get3A_124] {strides = array<i32>} : memref<8192xf32, #tpu.memory_space<vmem>>, vector<16xf32>,
        %add3A_126 = vector.broadcast %mul3A_120 : i32 to vector<16xi32>
        %add3A_127 = arith.addi %iota3A, %add3A_126 : vector<16xi32>
        %eq3A_128 = vector.broadcast %squeeze3A : i32 to vector<16xi32>
        %eq3A_129 = arith.cmpi eq, %get3A_122, %eq3A_128 : vector<16xi32>
        %ne3A_130 = vector.broadcast %add3A_64 : i32 to vector<16xi32>
        %ne3A_131 = arith.cmpi ne, %add3A_127, %ne3A_130 : vector<16xi32>
        %and3A_132 = arith.andi %eq3A_129, %ne3A_131 : vector<16xi1>
        %ne3A_133 = vector.broadcast %squeeze3A : i32 to vector<16xi32>
        %ne3A_134 = arith.cmpi ne, %get3A_122, %ne3A_133 : vector<16xi32>
        %jit3A_135 = arith.constant 3.000000e+38 : f32
        %broadcast_in_dim3A_136 = vector.broadcast %jit3A_135 : f32 to vector<16xf32>
        %select_n3A_137 = arith.select %ne3A_134, %get3A_125, %broadcast_in_dim3A_136 : vector<16xi1>, vector<16xf32>
        %swap3A_138 = arith.index_cast %mul3A_120 : i32 to index
        %swap3A_139 = tpu.vector_load %arg8[%swap3A_138] {strides = array<i32>} : memref<512xf32, #tpu.memory_space<vmem>>, vector<16xf32>,
        tpu.vector_store %arg8[%swap3A_138], %select_n3A_137 {strides = array<i32>} : memref<512xf32, #tpu.memory_space<vmem>>, vector<16xf32>,
        %slice3A_140 = vector.extract_strided_slice %add3A_116 {offsets = [0], sizes = [1], strides = [1]} : vector<16xi32> to vector<1xi32>
        %squeeze3A_141 = vector.extract %slice3A_140[0] : i32 from vector<1xi32>
        %swap3A_142 = arith.index_cast %squeeze3A_141 : i32 to index
        %swap3A_143 = tpu.vector_load %arg9[%swap3A_142] masked %and3A_132 {strides = array<i32>} : memref<528xf32, #tpu.memory_space<vmem>>, vector<16xf32>, vector<16xi1>
        tpu.vector_store %arg9[%swap3A_142], %get3A_125 masked %and3A_132 {strides = array<i32>} : memref<528xf32, #tpu.memory_space<vmem>>, vector<16xf32>, vector<16xi1>
        %all_reduce_population_count3A_144 = tpu.all_reduce %and3A_132 {dim = 0 : i64, kind = #tpu.reduction_kind<sum>} : vector<16xi1> -> vector<16xi32>
        %add3A_145 = arith.addi %add3A_116, %all_reduce_population_count3A_144 : vector<16xi32>
        %scan3A_146 = arith.constant 2 : i32
        %scan3A_147 = arith.addi %scan3A_91, %scan3A_146 : i32
        %mul3A_148 = arith.constant 16 : i32
        %mul3A_149 = arith.muli %scan3A_147, %mul3A_148 : i32
        %get3A_150 = arith.index_cast %mul3A_149 : i32 to index
        %get3A_151 = tpu.vector_load %arg6[%get3A_150] {strides = array<i32>} : memref<528xi32, #tpu.memory_space<vmem>>, vector<16xi32>,
        %add3A_152 = arith.addi %mul3A_67, %mul3A_149 : i32
        %get3A_153 = arith.index_cast %add3A_152 : i32 to index
        %get3A_154 = tpu.vector_load %arg7[%get3A_153] {strides = array<i32>} : memref<8192xf32, #tpu.memory_space<vmem>>, vector<16xf32>,
        %add3A_155 = vector.broadcast %mul3A_149 : i32 to vector<16xi32>
        %add3A_156 = arith.addi %iota3A, %add3A_155 : vector<16xi32>
        %eq3A_157 = vector.broadcast %squeeze3A : i32 to vector<16xi32>
        %eq3A_158 = arith.cmpi eq, %get3A_151, %eq3A_157 : vector<16xi32>
        %ne3A_159 = vector.broadcast %add3A_64 : i32 to vector<16xi32>
        %ne3A_160 = arith.cmpi ne, %add3A_156, %ne3A_159 : vector<16xi32>
        %and3A_161 = arith.andi %eq3A_158, %ne3A_160 : vector<16xi1>
        %ne3A_162 = vector.broadcast %squeeze3A : i32 to vector<16xi32>
        %ne3A_163 = arith.cmpi ne, %get3A_151, %ne3A_162 : vector<16xi32>
        %jit3A_164 = arith.constant 3.000000e+38 : f32
        %broadcast_in_dim3A_165 = vector.broadcast %jit3A_164 : f32 to vector<16xf32>
        %select_n3A_166 = arith.select %ne3A_163, %get3A_154, %broadcast_in_dim3A_165 : vector<16xi1>, vector<16xf32>
        %swap3A_167 = arith.index_cast %mul3A_149 : i32 to index
        %swap3A_168 = tpu.vector_load %arg8[%swap3A_167] {strides = array<i32>} : memref<512xf32, #tpu.memory_space<vmem>>, vector<16xf32>,
        tpu.vector_store %arg8[%swap3A_167], %select_n3A_166 {strides = array<i32>} : memref<512xf32, #tpu.memory_space<vmem>>, vector<16xf32>,
        %slice3A_169 = vector.extract_strided_slice %add3A_145 {offsets = [0], sizes = [1], strides = [1]} : vector<16xi32> to vector<1xi32>
        %squeeze3A_170 = vector.extract %slice3A_169[0] : i32 from vector<1xi32>
        %swap3A_171 = arith.index_cast %squeeze3A_170 : i32 to index
        %swap3A_172 = tpu.vector_load %arg9[%swap3A_171] masked %and3A_161 {strides = array<i32>} : memref<528xf32, #tpu.memory_space<vmem>>, vector<16xf32>, vector<16xi1>
        tpu.vector_store %arg9[%swap3A_171], %get3A_154 masked %and3A_161 {strides = array<i32>} : memref<528xf32, #tpu.memory_space<vmem>>, vector<16xf32>, vector<16xi1>
        %all_reduce_population_count3A_173 = tpu.all_reduce %and3A_161 {dim = 0 : i64, kind = #tpu.reduction_kind<sum>} : vector<16xi1> -> vector<16xi32>
        %add3A_174 = arith.addi %add3A_145, %all_reduce_population_count3A_173 : vector<16xi32>
        %scan3A_175 = arith.constant 3 : i32
        %scan3A_176 = arith.addi %scan3A_91, %scan3A_175 : i32
        %mul3A_177 = arith.constant 16 : i32
        %mul3A_178 = arith.muli %scan3A_176, %mul3A_177 : i32
        %get3A_179 = arith.index_cast %mul3A_178 : i32 to index
        %get3A_180 = tpu.vector_load %arg6[%get3A_179] {strides = array<i32>} : memref<528xi32, #tpu.memory_space<vmem>>, vector<16xi32>,
        %add3A_181 = arith.addi %mul3A_67, %mul3A_178 : i32
        %get3A_182 = arith.index_cast %add3A_181 : i32 to index
        %get3A_183 = tpu.vector_load %arg7[%get3A_182] {strides = array<i32>} : memref<8192xf32, #tpu.memory_space<vmem>>, vector<16xf32>,
        %add3A_184 = vector.broadcast %mul3A_178 : i32 to vector<16xi32>
        %add3A_185 = arith.addi %iota3A, %add3A_184 : vector<16xi32>
        %eq3A_186 = vector.broadcast %squeeze3A : i32 to vector<16xi32>
        %eq3A_187 = arith.cmpi eq, %get3A_180, %eq3A_186 : vector<16xi32>
        %ne3A_188 = vector.broadcast %add3A_64 : i32 to vector<16xi32>
        %ne3A_189 = arith.cmpi ne, %add3A_185, %ne3A_188 : vector<16xi32>
        %and3A_190 = arith.andi %eq3A_187, %ne3A_189 : vector<16xi1>
        %ne3A_191 = vector.broadcast %squeeze3A : i32 to vector<16xi32>
        %ne3A_192 = arith.cmpi ne, %get3A_180, %ne3A_191 : vector<16xi32>
        %jit3A_193 = arith.constant 3.000000e+38 : f32
        %broadcast_in_dim3A_194 = vector.broadcast %jit3A_193 : f32 to vector<16xf32>
        %select_n3A_195 = arith.select %ne3A_192, %get3A_183, %broadcast_in_dim3A_194 : vector<16xi1>, vector<16xf32>
        %swap3A_196 = arith.index_cast %mul3A_178 : i32 to index
        %swap3A_197 = tpu.vector_load %arg8[%swap3A_196] {strides = array<i32>} : memref<512xf32, #tpu.memory_space<vmem>>, vector<16xf32>,
        tpu.vector_store %arg8[%swap3A_196], %select_n3A_195 {strides = array<i32>} : memref<512xf32, #tpu.memory_space<vmem>>, vector<16xf32>,
        %slice3A_198 = vector.extract_strided_slice %add3A_174 {offsets = [0], sizes = [1], strides = [1]} : vector<16xi32> to vector<1xi32>
        %squeeze3A_199 = vector.extract %slice3A_198[0] : i32 from vector<1xi32>
        %swap3A_200 = arith.index_cast %squeeze3A_199 : i32 to index
        %swap3A_201 = tpu.vector_load %arg9[%swap3A_200] masked %and3A_190 {strides = array<i32>} : memref<528xf32, #tpu.memory_space<vmem>>, vector<16xf32>, vector<16xi1>
        tpu.vector_store %arg9[%swap3A_200], %get3A_183 masked %and3A_190 {strides = array<i32>} : memref<528xf32, #tpu.memory_space<vmem>>, vector<16xf32>, vector<16xi1>
        %all_reduce_population_count3A_202 = tpu.all_reduce %and3A_190 {dim = 0 : i64, kind = #tpu.reduction_kind<sum>} : vector<16xi1> -> vector<16xi32>
        %add3A_203 = arith.addi %add3A_174, %all_reduce_population_count3A_202 : vector<16xi32>
        %scan3A_204 = arith.constant 4 : i32
        %scan3A_205 = arith.addi %scan3A_91, %scan3A_204 : i32
        %mul3A_206 = arith.constant 16 : i32
        %mul3A_207 = arith.muli %scan3A_205, %mul3A_206 : i32
        %get3A_208 = arith.index_cast %mul3A_207 : i32 to index
        %get3A_209 = tpu.vector_load %arg6[%get3A_208] {strides = array<i32>} : memref<528xi32, #tpu.memory_space<vmem>>, vector<16xi32>,
        %add3A_210 = arith.addi %mul3A_67, %mul3A_207 : i32
        %get3A_211 = arith.index_cast %add3A_210 : i32 to index
        %get3A_212 = tpu.vector_load %arg7[%get3A_211] {strides = array<i32>} : memref<8192xf32, #tpu.memory_space<vmem>>, vector<16xf32>,
        %add3A_213 = vector.broadcast %mul3A_207 : i32 to vector<16xi32>
        %add3A_214 = arith.addi %iota3A, %add3A_213 : vector<16xi32>
        %eq3A_215 = vector.broadcast %squeeze3A : i32 to vector<16xi32>
        %eq3A_216 = arith.cmpi eq, %get3A_209, %eq3A_215 : vector<16xi32>
        %ne3A_217 = vector.broadcast %add3A_64 : i32 to vector<16xi32>
        %ne3A_218 = arith.cmpi ne, %add3A_214, %ne3A_217 : vector<16xi32>
        %and3A_219 = arith.andi %eq3A_216, %ne3A_218 : vector<16xi1>
        %ne3A_220 = vector.broadcast %squeeze3A : i32 to vector<16xi32>
        %ne3A_221 = arith.cmpi ne, %get3A_209, %ne3A_220 : vector<16xi32>
        %jit3A_222 = arith.constant 3.000000e+38 : f32
        %broadcast_in_dim3A_223 = vector.broadcast %jit3A_222 : f32 to vector<16xf32>
        %select_n3A_224 = arith.select %ne3A_221, %get3A_212, %broadcast_in_dim3A_223 : vector<16xi1>, vector<16xf32>
        %swap3A_225 = arith.index_cast %mul3A_207 : i32 to index
        %swap3A_226 = tpu.vector_load %arg8[%swap3A_225] {strides = array<i32>} : memref<512xf32, #tpu.memory_space<vmem>>, vector<16xf32>,
        tpu.vector_store %arg8[%swap3A_225], %select_n3A_224 {strides = array<i32>} : memref<512xf32, #tpu.memory_space<vmem>>, vector<16xf32>,
        %slice3A_227 = vector.extract_strided_slice %add3A_203 {offsets = [0], sizes = [1], strides = [1]} : vector<16xi32> to vector<1xi32>
        %squeeze3A_228 = vector.extract %slice3A_227[0] : i32 from vector<1xi32>
        %swap3A_229 = arith.index_cast %squeeze3A_228 : i32 to index
        %swap3A_230 = tpu.vector_load %arg9[%swap3A_229] masked %and3A_219 {strides = array<i32>} : memref<528xf32, #tpu.memory_space<vmem>>, vector<16xf32>, vector<16xi1>
        tpu.vector_store %arg9[%swap3A_229], %get3A_212 masked %and3A_219 {strides = array<i32>} : memref<528xf32, #tpu.memory_space<vmem>>, vector<16xf32>, vector<16xi1>
        %all_reduce_population_count3A_231 = tpu.all_reduce %and3A_219 {dim = 0 : i64, kind = #tpu.reduction_kind<sum>} : vector<16xi1> -> vector<16xi32>
        %add3A_232 = arith.addi %add3A_203, %all_reduce_population_count3A_231 : vector<16xi32>
        %scan3A_233 = arith.constant 5 : i32
        %scan3A_234 = arith.addi %scan3A_91, %scan3A_233 : i32
        %mul3A_235 = arith.constant 16 : i32
        %mul3A_236 = arith.muli %scan3A_234, %mul3A_235 : i32
        %get3A_237 = arith.index_cast %mul3A_236 : i32 to index
        %get3A_238 = tpu.vector_load %arg6[%get3A_237] {strides = array<i32>} : memref<528xi32, #tpu.memory_space<vmem>>, vector<16xi32>,
        %add3A_239 = arith.addi %mul3A_67, %mul3A_236 : i32
        %get3A_240 = arith.index_cast %add3A_239 : i32 to index
        %get3A_241 = tpu.vector_load %arg7[%get3A_240] {strides = array<i32>} : memref<8192xf32, #tpu.memory_space<vmem>>, vector<16xf32>,
        %add3A_242 = vector.broadcast %mul3A_236 : i32 to vector<16xi32>
        %add3A_243 = arith.addi %iota3A, %add3A_242 : vector<16xi32>
        %eq3A_244 = vector.broadcast %squeeze3A : i32 to vector<16xi32>
        %eq3A_245 = arith.cmpi eq, %get3A_238, %eq3A_244 : vector<16xi32>
        %ne3A_246 = vector.broadcast %add3A_64 : i32 to vector<16xi32>
        %ne3A_247 = arith.cmpi ne, %add3A_243, %ne3A_246 : vector<16xi32>
        %and3A_248 = arith.andi %eq3A_245, %ne3A_247 : vector<16xi1>
        %ne3A_249 = vector.broadcast %squeeze3A : i32 to vector<16xi32>
        %ne3A_250 = arith.cmpi ne, %get3A_238, %ne3A_249 : vector<16xi32>
        %jit3A_251 = arith.constant 3.000000e+38 : f32
        %broadcast_in_dim3A_252 = vector.broadcast %jit3A_251 : f32 to vector<16xf32>
        %select_n3A_253 = arith.select %ne3A_250, %get3A_241, %broadcast_in_dim3A_252 : vector<16xi1>, vector<16xf32>
        %swap3A_254 = arith.index_cast %mul3A_236 : i32 to index
        %swap3A_255 = tpu.vector_load %arg8[%swap3A_254] {strides = array<i32>} : memref<512xf32, #tpu.memory_space<vmem>>, vector<16xf32>,
        tpu.vector_store %arg8[%swap3A_254], %select_n3A_253 {strides = array<i32>} : memref<512xf32, #tpu.memory_space<vmem>>, vector<16xf32>,
        %slice3A_256 = vector.extract_strided_slice %add3A_232 {offsets = [0], sizes = [1], strides = [1]} : vector<16xi32> to vector<1xi32>
        %squeeze3A_257 = vector.extract %slice3A_256[0] : i32 from vector<1xi32>
        %swap3A_258 = arith.index_cast %squeeze3A_257 : i32 to index
        %swap3A_259 = tpu.vector_load %arg9[%swap3A_258] masked %and3A_248 {strides = array<i32>} : memref<528xf32, #tpu.memory_space<vmem>>, vector<16xf32>, vector<16xi1>
        tpu.vector_store %arg9[%swap3A_258], %get3A_241 masked %and3A_248 {strides = array<i32>} : memref<528xf32, #tpu.memory_space<vmem>>, vector<16xf32>, vector<16xi1>
        %all_reduce_population_count3A_260 = tpu.all_reduce %and3A_248 {dim = 0 : i64, kind = #tpu.reduction_kind<sum>} : vector<16xi1> -> vector<16xi32>
        %add3A_261 = arith.addi %add3A_232, %all_reduce_population_count3A_260 : vector<16xi32>
        %scan3A_262 = arith.constant 6 : i32
        %scan3A_263 = arith.addi %scan3A_91, %scan3A_262 : i32
        %mul3A_264 = arith.constant 16 : i32
        %mul3A_265 = arith.muli %scan3A_263, %mul3A_264 : i32
        %get3A_266 = arith.index_cast %mul3A_265 : i32 to index
        %get3A_267 = tpu.vector_load %arg6[%get3A_266] {strides = array<i32>} : memref<528xi32, #tpu.memory_space<vmem>>, vector<16xi32>,
        %add3A_268 = arith.addi %mul3A_67, %mul3A_265 : i32
        %get3A_269 = arith.index_cast %add3A_268 : i32 to index
        %get3A_270 = tpu.vector_load %arg7[%get3A_269] {strides = array<i32>} : memref<8192xf32, #tpu.memory_space<vmem>>, vector<16xf32>,
        %add3A_271 = vector.broadcast %mul3A_265 : i32 to vector<16xi32>
        %add3A_272 = arith.addi %iota3A, %add3A_271 : vector<16xi32>
        %eq3A_273 = vector.broadcast %squeeze3A : i32 to vector<16xi32>
        %eq3A_274 = arith.cmpi eq, %get3A_267, %eq3A_273 : vector<16xi32>
        %ne3A_275 = vector.broadcast %add3A_64 : i32 to vector<16xi32>
        %ne3A_276 = arith.cmpi ne, %add3A_272, %ne3A_275 : vector<16xi32>
        %and3A_277 = arith.andi %eq3A_274, %ne3A_276 : vector<16xi1>
        %ne3A_278 = vector.broadcast %squeeze3A : i32 to vector<16xi32>
        %ne3A_279 = arith.cmpi ne, %get3A_267, %ne3A_278 : vector<16xi32>
        %jit3A_280 = arith.constant 3.000000e+38 : f32
        %broadcast_in_dim3A_281 = vector.broadcast %jit3A_280 : f32 to vector<16xf32>
        %select_n3A_282 = arith.select %ne3A_279, %get3A_270, %broadcast_in_dim3A_281 : vector<16xi1>, vector<16xf32>
        %swap3A_283 = arith.index_cast %mul3A_265 : i32 to index
        %swap3A_284 = tpu.vector_load %arg8[%swap3A_283] {strides = array<i32>} : memref<512xf32, #tpu.memory_space<vmem>>, vector<16xf32>,
        tpu.vector_store %arg8[%swap3A_283], %select_n3A_282 {strides = array<i32>} : memref<512xf32, #tpu.memory_space<vmem>>, vector<16xf32>,
        %slice3A_285 = vector.extract_strided_slice %add3A_261 {offsets = [0], sizes = [1], strides = [1]} : vector<16xi32> to vector<1xi32>
        %squeeze3A_286 = vector.extract %slice3A_285[0] : i32 from vector<1xi32>
        %swap3A_287 = arith.index_cast %squeeze3A_286 : i32 to index
        %swap3A_288 = tpu.vector_load %arg9[%swap3A_287] masked %and3A_277 {strides = array<i32>} : memref<528xf32, #tpu.memory_space<vmem>>, vector<16xf32>, vector<16xi1>
        tpu.vector_store %arg9[%swap3A_287], %get3A_270 masked %and3A_277 {strides = array<i32>} : memref<528xf32, #tpu.memory_space<vmem>>, vector<16xf32>, vector<16xi1>
        %all_reduce_population_count3A_289 = tpu.all_reduce %and3A_277 {dim = 0 : i64, kind = #tpu.reduction_kind<sum>} : vector<16xi1> -> vector<16xi32>
        %add3A_290 = arith.addi %add3A_261, %all_reduce_population_count3A_289 : vector<16xi32>
        %scan3A_291 = arith.constant 7 : i32
        %scan3A_292 = arith.addi %scan3A_91, %scan3A_291 : i32
        %mul3A_293 = arith.constant 16 : i32
        %mul3A_294 = arith.muli %scan3A_292, %mul3A_293 : i32
        %get3A_295 = arith.index_cast %mul3A_294 : i32 to index
        %get3A_296 = tpu.vector_load %arg6[%get3A_295] {strides = array<i32>} : memref<528xi32, #tpu.memory_space<vmem>>, vector<16xi32>,
        %add3A_297 = arith.addi %mul3A_67, %mul3A_294 : i32
        %get3A_298 = arith.index_cast %add3A_297 : i32 to index
        %get3A_299 = tpu.vector_load %arg7[%get3A_298] {strides = array<i32>} : memref<8192xf32, #tpu.memory_space<vmem>>, vector<16xf32>,
        %add3A_300 = vector.broadcast %mul3A_294 : i32 to vector<16xi32>
        %add3A_301 = arith.addi %iota3A, %add3A_300 : vector<16xi32>
        %eq3A_302 = vector.broadcast %squeeze3A : i32 to vector<16xi32>
        %eq3A_303 = arith.cmpi eq, %get3A_296, %eq3A_302 : vector<16xi32>
        %ne3A_304 = vector.broadcast %add3A_64 : i32 to vector<16xi32>
        %ne3A_305 = arith.cmpi ne, %add3A_301, %ne3A_304 : vector<16xi32>
        %and3A_306 = arith.andi %eq3A_303, %ne3A_305 : vector<16xi1>
        %ne3A_307 = vector.broadcast %squeeze3A : i32 to vector<16xi32>
        %ne3A_308 = arith.cmpi ne, %get3A_296, %ne3A_307 : vector<16xi32>
        %jit3A_309 = arith.constant 3.000000e+38 : f32
        %broadcast_in_dim3A_310 = vector.broadcast %jit3A_309 : f32 to vector<16xf32>
        %select_n3A_311 = arith.select %ne3A_308, %get3A_299, %broadcast_in_dim3A_310 : vector<16xi1>, vector<16xf32>
        %swap3A_312 = arith.index_cast %mul3A_294 : i32 to index
        %swap3A_313 = tpu.vector_load %arg8[%swap3A_312] {strides = array<i32>} : memref<512xf32, #tpu.memory_space<vmem>>, vector<16xf32>,
        tpu.vector_store %arg8[%swap3A_312], %select_n3A_311 {strides = array<i32>} : memref<512xf32, #tpu.memory_space<vmem>>, vector<16xf32>,
        %slice3A_314 = vector.extract_strided_slice %add3A_290 {offsets = [0], sizes = [1], strides = [1]} : vector<16xi32> to vector<1xi32>
        %squeeze3A_315 = vector.extract %slice3A_314[0] : i32 from vector<1xi32>
        %swap3A_316 = arith.index_cast %squeeze3A_315 : i32 to index
        %swap3A_317 = tpu.vector_load %arg9[%swap3A_316] masked %and3A_306 {strides = array<i32>} : memref<528xf32, #tpu.memory_space<vmem>>, vector<16xf32>, vector<16xi1>
        tpu.vector_store %arg9[%swap3A_316], %get3A_299 masked %and3A_306 {strides = array<i32>} : memref<528xf32, #tpu.memory_space<vmem>>, vector<16xf32>, vector<16xi1>
        %all_reduce_population_count3A_318 = tpu.all_reduce %and3A_306 {dim = 0 : i64, kind = #tpu.reduction_kind<sum>} : vector<16xi1> -> vector<16xi32>
        %add3A_319 = arith.addi %add3A_290, %all_reduce_population_count3A_318 : vector<16xi32>
        scf.yield %add3A_319 : vector<16xi32>
      }
      %scan3A_75 = arith.constant 32 : i32
      %slice3A_76 = vector.extract_strided_slice %scan3A_74 {offsets = [0], sizes = [1], strides = [1]} : vector<16xi32> to vector<1xi32>
      %squeeze3A_77 = vector.extract %slice3A_76[0] : i32 from vector<1xi32>
      %sub3A = arith.constant 511 : i32
      %sub3A_78 = arith.subi %sub3A, %squeeze3A_77 : i32
      %mul3A_79 = arith.muli %squeeze3A_77, %sub3A_78 : i32
      %add3A_80 = arith.addi %scan3A_61, %mul3A_79 : i32
      %while3A = arith.constant 0 : i32
      %while3A_81 = arith.subi %squeeze3A_77, %while3A : i32
      %while3A_82 = arith.addi %while3A, %while3A_81 : i32
      %while3A_83 = arith.constant 1 : i32
      %while3A_84 = arith.divsi %while3A_81, %while3A_83 : i32
      %while3A_85 = arith.muli %while3A_84, %while3A_83 : i32
      %while3A_86 = arith.addi %while3A, %while3A_85 : i32
      %while3A_87 = arith.constant 1 : i32
      %while3A_88:2 = scf.for %while3A_91 = %while3A to %while3A_86 step %while3A_87 iter_args(%while3A_92 = %scan3A_59, %while3A_93 = %scan3A_60) -> (vector<16xf32>, vector<16xf32>)  : i32 {
        %get3A_94 = arith.index_cast %while3A_91 : i32 to index
        %get3A_95 = tpu.vector_load %arg9[%get3A_94] {strides = array<i32>} : memref<528xf32, #tpu.memory_space<vmem>>, vector<16xf32>,
        %slice3A_96 = vector.extract_strided_slice %get3A_95 {offsets = [0], sizes = [1], strides = [1]} : vector<16xf32> to vector<1xf32>
        %squeeze3A_97 = vector.extract %slice3A_96[0] : f32 from vector<1xf32>
        %add3A_98 = arith.constant 2.000000e-01 : f32
        %add3A_99 = arith.addf %squeeze3A_97, %add3A_98 : f32
        %scan3A_100 = arith.constant 0 : i32
        %scan3A_101 = arith.constant 16 : i32
        %scan3A_102 = arith.addi %scan3A_100, %scan3A_101 : i32
        %scan3A_103 = arith.constant 4 : i32
        %scan3A_104:2 = scf.for %scan3A_106 = %scan3A_100 to %scan3A_102 step %scan3A_103 iter_args(%scan3A_107 = %while3A_92, %scan3A_108 = %while3A_93) -> (vector<16xf32>, vector<16xf32>)  : i32 {
          %mul3A_109 = arith.constant 2 : i32
          %mul3A_110 = arith.muli %scan3A_106, %mul3A_109 : i32
          %mul3A_111 = arith.constant 16 : i32
          %mul3A_112 = arith.muli %mul3A_110, %mul3A_111 : i32
          %get3A_113 = arith.index_cast %mul3A_112 : i32 to index
          %get3A_114 = tpu.vector_load %arg8[%get3A_113] {strides = array<i32>} : memref<512xf32, #tpu.memory_space<vmem>>, vector<16xf32>,
          %add3A_115 = arith.constant 16 : i32
          %add3A_116 = arith.addi %mul3A_112, %add3A_115 : i32
          %get3A_117 = arith.index_cast %add3A_116 : i32 to index
          %get3A_118 = tpu.vector_load %arg8[%get3A_117] {strides = array<i32>} : memref<512xf32, #tpu.memory_space<vmem>>, vector<16xf32>,
          %sub3A_119 = vector.broadcast %add3A_99 : f32 to vector<16xf32>
          %sub3A_120 = arith.subf %sub3A_119, %get3A_114 : vector<16xf32>
          %max3A = arith.constant 0.000000e+00 : f32
          %max3A_121 = vector.broadcast %max3A : f32 to vector<16xf32>
          %max3A_122 = arith.maximumf %sub3A_120, %max3A_121 : vector<16xf32>
          %add3A_123 = arith.addf %scan3A_107, %max3A_122 : vector<16xf32>
          %sub3A_124 = vector.broadcast %add3A_99 : f32 to vector<16xf32>
          %sub3A_125 = arith.subf %sub3A_124, %get3A_118 : vector<16xf32>
          %max3A_126 = arith.constant 0.000000e+00 : f32
          %max3A_127 = vector.broadcast %max3A_126 : f32 to vector<16xf32>
          %max3A_128 = arith.maximumf %sub3A_125, %max3A_127 : vector<16xf32>
          %add3A_129 = arith.addf %scan3A_108, %max3A_128 : vector<16xf32>
          %scan3A_130 = arith.constant 1 : i32
          %scan3A_131 = arith.addi %scan3A_106, %scan3A_130 : i32
          %mul3A_132 = arith.constant 2 : i32
          %mul3A_133 = arith.muli %scan3A_131, %mul3A_132 : i32
          %mul3A_134 = arith.constant 16 : i32
          %mul3A_135 = arith.muli %mul3A_133, %mul3A_134 : i32
          %get3A_136 = arith.index_cast %mul3A_135 : i32 to index
          %get3A_137 = tpu.vector_load %arg8[%get3A_136] {strides = array<i32>} : memref<512xf32, #tpu.memory_space<vmem>>, vector<16xf32>,
          %add3A_138 = arith.constant 16 : i32
          %add3A_139 = arith.addi %mul3A_135, %add3A_138 : i32
          %get3A_140 = arith.index_cast %add3A_139 : i32 to index
          %get3A_141 = tpu.vector_load %arg8[%get3A_140] {strides = array<i32>} : memref<512xf32, #tpu.memory_space<vmem>>, vector<16xf32>,
          %sub3A_142 = vector.broadcast %add3A_99 : f32 to vector<16xf32>
          %sub3A_143 = arith.subf %sub3A_142, %get3A_137 : vector<16xf32>
          %max3A_144 = arith.constant 0.000000e+00 : f32
          %max3A_145 = vector.broadcast %max3A_144 : f32 to vector<16xf32>
          %max3A_146 = arith.maximumf %sub3A_143, %max3A_145 : vector<16xf32>
          %add3A_147 = arith.addf %add3A_123, %max3A_146 : vector<16xf32>
          %sub3A_148 = vector.broadcast %add3A_99 : f32 to vector<16xf32>
          %sub3A_149 = arith.subf %sub3A_148, %get3A_141 : vector<16xf32>
          %max3A_150 = arith.constant 0.000000e+00 : f32
          %max3A_151 = vector.broadcast %max3A_150 : f32 to vector<16xf32>
          %max3A_152 = arith.maximumf %sub3A_149, %max3A_151 : vector<16xf32>
          %add3A_153 = arith.addf %add3A_129, %max3A_152 : vector<16xf32>
          %scan3A_154 = arith.constant 2 : i32
          %scan3A_155 = arith.addi %scan3A_106, %scan3A_154 : i32
          %mul3A_156 = arith.constant 2 : i32
          %mul3A_157 = arith.muli %scan3A_155, %mul3A_156 : i32
          %mul3A_158 = arith.constant 16 : i32
          %mul3A_159 = arith.muli %mul3A_157, %mul3A_158 : i32
          %get3A_160 = arith.index_cast %mul3A_159 : i32 to index
          %get3A_161 = tpu.vector_load %arg8[%get3A_160] {strides = array<i32>} : memref<512xf32, #tpu.memory_space<vmem>>, vector<16xf32>,
          %add3A_162 = arith.constant 16 : i32
          %add3A_163 = arith.addi %mul3A_159, %add3A_162 : i32
          %get3A_164 = arith.index_cast %add3A_163 : i32 to index
          %get3A_165 = tpu.vector_load %arg8[%get3A_164] {strides = array<i32>} : memref<512xf32, #tpu.memory_space<vmem>>, vector<16xf32>,
          %sub3A_166 = vector.broadcast %add3A_99 : f32 to vector<16xf32>
          %sub3A_167 = arith.subf %sub3A_166, %get3A_161 : vector<16xf32>
          %max3A_168 = arith.constant 0.000000e+00 : f32
          %max3A_169 = vector.broadcast %max3A_168 : f32 to vector<16xf32>
          %max3A_170 = arith.maximumf %sub3A_167, %max3A_169 : vector<16xf32>
          %add3A_171 = arith.addf %add3A_147, %max3A_170 : vector<16xf32>
          %sub3A_172 = vector.broadcast %add3A_99 : f32 to vector<16xf32>
          %sub3A_173 = arith.subf %sub3A_172, %get3A_165 : vector<16xf32>
          %max3A_174 = arith.constant 0.000000e+00 : f32
          %max3A_175 = vector.broadcast %max3A_174 : f32 to vector<16xf32>
          %max3A_176 = arith.maximumf %sub3A_173, %max3A_175 : vector<16xf32>
          %add3A_177 = arith.addf %add3A_153, %max3A_176 : vector<16xf32>
          %scan3A_178 = arith.constant 3 : i32
          %scan3A_179 = arith.addi %scan3A_106, %scan3A_178 : i32
          %mul3A_180 = arith.constant 2 : i32
          %mul3A_181 = arith.muli %scan3A_179, %mul3A_180 : i32
          %mul3A_182 = arith.constant 16 : i32
          %mul3A_183 = arith.muli %mul3A_181, %mul3A_182 : i32
          %get3A_184 = arith.index_cast %mul3A_183 : i32 to index
          %get3A_185 = tpu.vector_load %arg8[%get3A_184] {strides = array<i32>} : memref<512xf32, #tpu.memory_space<vmem>>, vector<16xf32>,
          %add3A_186 = arith.constant 16 : i32
          %add3A_187 = arith.addi %mul3A_183, %add3A_186 : i32
          %get3A_188 = arith.index_cast %add3A_187 : i32 to index
          %get3A_189 = tpu.vector_load %arg8[%get3A_188] {strides = array<i32>} : memref<512xf32, #tpu.memory_space<vmem>>, vector<16xf32>,
          %sub3A_190 = vector.broadcast %add3A_99 : f32 to vector<16xf32>
          %sub3A_191 = arith.subf %sub3A_190, %get3A_185 : vector<16xf32>
          %max3A_192 = arith.constant 0.000000e+00 : f32
          %max3A_193 = vector.broadcast %max3A_192 : f32 to vector<16xf32>
          %max3A_194 = arith.maximumf %sub3A_191, %max3A_193 : vector<16xf32>
          %add3A_195 = arith.addf %add3A_171, %max3A_194 : vector<16xf32>
          %sub3A_196 = vector.broadcast %add3A_99 : f32 to vector<16xf32>
          %sub3A_197 = arith.subf %sub3A_196, %get3A_189 : vector<16xf32>
          %max3A_198 = arith.constant 0.000000e+00 : f32
          %max3A_199 = vector.broadcast %max3A_198 : f32 to vector<16xf32>
          %max3A_200 = arith.maximumf %sub3A_197, %max3A_199 : vector<16xf32>
          %add3A_201 = arith.addf %add3A_177, %max3A_200 : vector<16xf32>
          scf.yield %add3A_195, %add3A_201 : vector<16xf32>, vector<16xf32>
        }
        %scan3A_105 = arith.constant 16 : i32
        scf.yield %scan3A_104#0, %scan3A_104#1 : vector<16xf32>, vector<16xf32>
      }
      %while3A_89 = arith.constant 1 : i32
      %while3A_90:2 = scf.for %while3A_91 = %while3A_86 to %while3A_82 step %while3A_89 iter_args(%while3A_92 = %while3A_88#0, %while3A_93 = %while3A_88#1) -> (vector<16xf32>, vector<16xf32>)  : i32 {
        %get3A_94 = arith.index_cast %while3A_91 : i32 to index
        %get3A_95 = tpu.vector_load %arg9[%get3A_94] {strides = array<i32>} : memref<528xf32, #tpu.memory_space<vmem>>, vector<16xf32>,
        %slice3A_96 = vector.extract_strided_slice %get3A_95 {offsets = [0], sizes = [1], strides = [1]} : vector<16xf32> to vector<1xf32>
        %squeeze3A_97 = vector.extract %slice3A_96[0] : f32 from vector<1xf32>
        %add3A_98 = arith.constant 2.000000e-01 : f32
        %add3A_99 = arith.addf %squeeze3A_97, %add3A_98 : f32
        %scan3A_100 = arith.constant 0 : i32
        %scan3A_101 = arith.constant 16 : i32
        %scan3A_102 = arith.addi %scan3A_100, %scan3A_101 : i32
        %scan3A_103 = arith.constant 4 : i32
        %scan3A_104:2 = scf.for %scan3A_106 = %scan3A_100 to %scan3A_102 step %scan3A_103 iter_args(%scan3A_107 = %while3A_92, %scan3A_108 = %while3A_93) -> (vector<16xf32>, vector<16xf32>)  : i32 {
          %mul3A_109 = arith.constant 2 : i32
          %mul3A_110 = arith.muli %scan3A_106, %mul3A_109 : i32
          %mul3A_111 = arith.constant 16 : i32
          %mul3A_112 = arith.muli %mul3A_110, %mul3A_111 : i32
          %get3A_113 = arith.index_cast %mul3A_112 : i32 to index
          %get3A_114 = tpu.vector_load %arg8[%get3A_113] {strides = array<i32>} : memref<512xf32, #tpu.memory_space<vmem>>, vector<16xf32>,
          %add3A_115 = arith.constant 16 : i32
          %add3A_116 = arith.addi %mul3A_112, %add3A_115 : i32
          %get3A_117 = arith.index_cast %add3A_116 : i32 to index
          %get3A_118 = tpu.vector_load %arg8[%get3A_117] {strides = array<i32>} : memref<512xf32, #tpu.memory_space<vmem>>, vector<16xf32>,
          %sub3A_119 = vector.broadcast %add3A_99 : f32 to vector<16xf32>
          %sub3A_120 = arith.subf %sub3A_119, %get3A_114 : vector<16xf32>
          %max3A = arith.constant 0.000000e+00 : f32
          %max3A_121 = vector.broadcast %max3A : f32 to vector<16xf32>
          %max3A_122 = arith.maximumf %sub3A_120, %max3A_121 : vector<16xf32>
          %add3A_123 = arith.addf %scan3A_107, %max3A_122 : vector<16xf32>
          %sub3A_124 = vector.broadcast %add3A_99 : f32 to vector<16xf32>
          %sub3A_125 = arith.subf %sub3A_124, %get3A_118 : vector<16xf32>
          %max3A_126 = arith.constant 0.000000e+00 : f32
          %max3A_127 = vector.broadcast %max3A_126 : f32 to vector<16xf32>
          %max3A_128 = arith.maximumf %sub3A_125, %max3A_127 : vector<16xf32>
          %add3A_129 = arith.addf %scan3A_108, %max3A_128 : vector<16xf32>
          %scan3A_130 = arith.constant 1 : i32
          %scan3A_131 = arith.addi %scan3A_106, %scan3A_130 : i32
          %mul3A_132 = arith.constant 2 : i32
          %mul3A_133 = arith.muli %scan3A_131, %mul3A_132 : i32
          %mul3A_134 = arith.constant 16 : i32
          %mul3A_135 = arith.muli %mul3A_133, %mul3A_134 : i32
          %get3A_136 = arith.index_cast %mul3A_135 : i32 to index
          %get3A_137 = tpu.vector_load %arg8[%get3A_136] {strides = array<i32>} : memref<512xf32, #tpu.memory_space<vmem>>, vector<16xf32>,
          %add3A_138 = arith.constant 16 : i32
          %add3A_139 = arith.addi %mul3A_135, %add3A_138 : i32
          %get3A_140 = arith.index_cast %add3A_139 : i32 to index
          %get3A_141 = tpu.vector_load %arg8[%get3A_140] {strides = array<i32>} : memref<512xf32, #tpu.memory_space<vmem>>, vector<16xf32>,
          %sub3A_142 = vector.broadcast %add3A_99 : f32 to vector<16xf32>
          %sub3A_143 = arith.subf %sub3A_142, %get3A_137 : vector<16xf32>
          %max3A_144 = arith.constant 0.000000e+00 : f32
          %max3A_145 = vector.broadcast %max3A_144 : f32 to vector<16xf32>
          %max3A_146 = arith.maximumf %sub3A_143, %max3A_145 : vector<16xf32>
          %add3A_147 = arith.addf %add3A_123, %max3A_146 : vector<16xf32>
          %sub3A_148 = vector.broadcast %add3A_99 : f32 to vector<16xf32>
          %sub3A_149 = arith.subf %sub3A_148, %get3A_141 : vector<16xf32>
          %max3A_150 = arith.constant 0.000000e+00 : f32
          %max3A_151 = vector.broadcast %max3A_150 : f32 to vector<16xf32>
          %max3A_152 = arith.maximumf %sub3A_149, %max3A_151 : vector<16xf32>
          %add3A_153 = arith.addf %add3A_129, %max3A_152 : vector<16xf32>
          %scan3A_154 = arith.constant 2 : i32
          %scan3A_155 = arith.addi %scan3A_106, %scan3A_154 : i32
          %mul3A_156 = arith.constant 2 : i32
          %mul3A_157 = arith.muli %scan3A_155, %mul3A_156 : i32
          %mul3A_158 = arith.constant 16 : i32
          %mul3A_159 = arith.muli %mul3A_157, %mul3A_158 : i32
          %get3A_160 = arith.index_cast %mul3A_159 : i32 to index
          %get3A_161 = tpu.vector_load %arg8[%get3A_160] {strides = array<i32>} : memref<512xf32, #tpu.memory_space<vmem>>, vector<16xf32>,
          %add3A_162 = arith.constant 16 : i32
          %add3A_163 = arith.addi %mul3A_159, %add3A_162 : i32
          %get3A_164 = arith.index_cast %add3A_163 : i32 to index
          %get3A_165 = tpu.vector_load %arg8[%get3A_164] {strides = array<i32>} : memref<512xf32, #tpu.memory_space<vmem>>, vector<16xf32>,
          %sub3A_166 = vector.broadcast %add3A_99 : f32 to vector<16xf32>
          %sub3A_167 = arith.subf %sub3A_166, %get3A_161 : vector<16xf32>
          %max3A_168 = arith.constant 0.000000e+00 : f32
          %max3A_169 = vector.broadcast %max3A_168 : f32 to vector<16xf32>
          %max3A_170 = arith.maximumf %sub3A_167, %max3A_169 : vector<16xf32>
          %add3A_171 = arith.addf %add3A_147, %max3A_170 : vector<16xf32>
          %sub3A_172 = vector.broadcast %add3A_99 : f32 to vector<16xf32>
          %sub3A_173 = arith.subf %sub3A_172, %get3A_165 : vector<16xf32>
          %max3A_174 = arith.constant 0.000000e+00 : f32
          %max3A_175 = vector.broadcast %max3A_174 : f32 to vector<16xf32>
          %max3A_176 = arith.maximumf %sub3A_173, %max3A_175 : vector<16xf32>
          %add3A_177 = arith.addf %add3A_153, %max3A_176 : vector<16xf32>
          %scan3A_178 = arith.constant 3 : i32
          %scan3A_179 = arith.addi %scan3A_106, %scan3A_178 : i32
          %mul3A_180 = arith.constant 2 : i32
          %mul3A_181 = arith.muli %scan3A_179, %mul3A_180 : i32
          %mul3A_182 = arith.constant 16 : i32
          %mul3A_183 = arith.muli %mul3A_181, %mul3A_182 : i32
          %get3A_184 = arith.index_cast %mul3A_183 : i32 to index
          %get3A_185 = tpu.vector_load %arg8[%get3A_184] {strides = array<i32>} : memref<512xf32, #tpu.memory_space<vmem>>, vector<16xf32>,
          %add3A_186 = arith.constant 16 : i32
          %add3A_187 = arith.addi %mul3A_183, %add3A_186 : i32
          %get3A_188 = arith.index_cast %add3A_187 : i32 to index
          %get3A_189 = tpu.vector_load %arg8[%get3A_188] {strides = array<i32>} : memref<512xf32, #tpu.memory_space<vmem>>, vector<16xf32>,
          %sub3A_190 = vector.broadcast %add3A_99 : f32 to vector<16xf32>
          %sub3A_191 = arith.subf %sub3A_190, %get3A_185 : vector<16xf32>
          %max3A_192 = arith.constant 0.000000e+00 : f32
          %max3A_193 = vector.broadcast %max3A_192 : f32 to vector<16xf32>
          %max3A_194 = arith.maximumf %sub3A_191, %max3A_193 : vector<16xf32>
          %add3A_195 = arith.addf %add3A_171, %max3A_194 : vector<16xf32>
          %sub3A_196 = vector.broadcast %add3A_99 : f32 to vector<16xf32>
          %sub3A_197 = arith.subf %sub3A_196, %get3A_189 : vector<16xf32>
          %max3A_198 = arith.constant 0.000000e+00 : f32
          %max3A_199 = vector.broadcast %max3A_198 : f32 to vector<16xf32>
          %max3A_200 = arith.maximumf %sub3A_197, %max3A_199 : vector<16xf32>
          %add3A_201 = arith.addf %add3A_177, %max3A_200 : vector<16xf32>
          scf.yield %add3A_195, %add3A_201 : vector<16xf32>, vector<16xf32>
        }
        %scan3A_105 = arith.constant 16 : i32
        scf.yield %scan3A_104#0, %scan3A_104#1 : vector<16xf32>, vector<16xf32>
      }
      scf.yield %while3A_90#0, %while3A_90#1, %add3A_80 : vector<16xf32>, vector<16xf32>, i32
    }
    %scan3A_37 = arith.constant 8 : i32
    %dma_wait3A_38 = arith.constant 4096 : i32
    %dma_wait3A_39 = tpu.memref_slice %arg7[%dma_wait3A_38] : memref<8192xf32, #tpu.memory_space<vmem>> -> memref<4096xf32, #tpu.memory_space<vmem>>
    %dma_wait3A_40 = tpu.memref_slice %arg2[%add3A_6] : memref<262144xf32, #tpu.memory_space<hbm>> -> memref<4096xf32, #tpu.memory_space<hbm>>
    %dma_wait3A_41 = arith.constant 4096 : i32
    %dma_wait3A_42 = tpu.memref_slice %arg7[%dma_wait3A_41] : memref<8192xf32, #tpu.memory_space<vmem>> -> memref<4096xf32, #tpu.memory_space<vmem>>
    %dma_wait3A_43 = tpu.memref_slice %arg2[%add3A_6] : memref<262144xf32, #tpu.memory_space<hbm>> -> memref<4096xf32, #tpu.memory_space<hbm>>
    tpu.wait_dma2 semaphore(%arg14 : memref<!tpu.dma_semaphore, #tpu.memory_space<semaphore_mem>>) src(%dma_wait3A_43 : memref<4096xf32, #tpu.memory_space<hbm>>) dst(%dma_wait3A_42 : memref<4096xf32, #tpu.memory_space<vmem>>)
    %scan3A_44 = arith.constant 8 : i32
    %scan3A_45 = arith.constant 8 : i32
    %scan3A_46 = arith.addi %scan3A_44, %scan3A_45 : i32
    %scan3A_47 = arith.constant 1 : i32
    %scan3A_48:3 = scf.for %scan3A_58 = %scan3A_44 to %scan3A_46 step %scan3A_47 iter_args(%scan3A_59 = %scan3A_36#0, %scan3A_60 = %scan3A_36#1, %scan3A_61 = %scan3A_36#2) -> (vector<16xf32>, vector<16xf32>, i32)  : i32 {
      %mul3A_62 = arith.constant 16 : i32
      %mul3A_63 = arith.muli %add3A, %mul3A_62 : i32
      %add3A_64 = arith.addi %mul3A_63, %scan3A_58 : i32
      %get3A = arith.index_cast %add3A_64 : i32 to index
      %get3A_65 = tpu.vector_load %arg6[%get3A] {strides = array<i32>} : memref<528xi32, #tpu.memory_space<vmem>>, vector<16xi32>,
      %slice3A = vector.extract_strided_slice %get3A_65 {offsets = [0], sizes = [1], strides = [1]} : vector<16xi32> to vector<1xi32>
      %squeeze3A = vector.extract %slice3A[0] : i32 from vector<1xi32>
      %mul3A_66 = arith.constant 512 : i32
      %mul3A_67 = arith.muli %scan3A_58, %mul3A_66 : i32
      %broadcast_in_dim3A_68 = arith.constant 0 : i32
      %broadcast_in_dim3A_69 = vector.broadcast %broadcast_in_dim3A_68 : i32 to vector<16xi32>
      %scan3A_70 = arith.constant 0 : i32
      %scan3A_71 = arith.constant 32 : i32
      %scan3A_72 = arith.addi %scan3A_70, %scan3A_71 : i32
      %scan3A_73 = arith.constant 8 : i32
      %scan3A_74 = scf.for %scan3A_91 = %scan3A_70 to %scan3A_72 step %scan3A_73 iter_args(%scan3A_92 = %broadcast_in_dim3A_69) -> (vector<16xi32>)  : i32 {
        %mul3A_93 = arith.constant 16 : i32
        %mul3A_94 = arith.muli %scan3A_91, %mul3A_93 : i32
        %get3A_95 = arith.index_cast %mul3A_94 : i32 to index
        %get3A_96 = tpu.vector_load %arg6[%get3A_95] {strides = array<i32>} : memref<528xi32, #tpu.memory_space<vmem>>, vector<16xi32>,
        %add3A_97 = arith.addi %mul3A_67, %mul3A_94 : i32
        %get3A_98 = arith.index_cast %add3A_97 : i32 to index
        %get3A_99 = tpu.vector_load %arg7[%get3A_98] {strides = array<i32>} : memref<8192xf32, #tpu.memory_space<vmem>>, vector<16xf32>,
        %add3A_100 = vector.broadcast %mul3A_94 : i32 to vector<16xi32>
        %add3A_101 = arith.addi %iota3A, %add3A_100 : vector<16xi32>
        %eq3A_102 = vector.broadcast %squeeze3A : i32 to vector<16xi32>
        %eq3A_103 = arith.cmpi eq, %get3A_96, %eq3A_102 : vector<16xi32>
        %ne3A = vector.broadcast %add3A_64 : i32 to vector<16xi32>
        %ne3A_104 = arith.cmpi ne, %add3A_101, %ne3A : vector<16xi32>
        %and3A = arith.andi %eq3A_103, %ne3A_104 : vector<16xi1>
        %ne3A_105 = vector.broadcast %squeeze3A : i32 to vector<16xi32>
        %ne3A_106 = arith.cmpi ne, %get3A_96, %ne3A_105 : vector<16xi32>
        %jit3A_107 = arith.constant 3.000000e+38 : f32
        %broadcast_in_dim3A_108 = vector.broadcast %jit3A_107 : f32 to vector<16xf32>
        %select_n3A_109 = arith.select %ne3A_106, %get3A_99, %broadcast_in_dim3A_108 : vector<16xi1>, vector<16xf32>
        %swap3A_110 = arith.index_cast %mul3A_94 : i32 to index
        %swap3A_111 = tpu.vector_load %arg8[%swap3A_110] {strides = array<i32>} : memref<512xf32, #tpu.memory_space<vmem>>, vector<16xf32>,
        tpu.vector_store %arg8[%swap3A_110], %select_n3A_109 {strides = array<i32>} : memref<512xf32, #tpu.memory_space<vmem>>, vector<16xf32>,
        %slice3A_112 = vector.extract_strided_slice %scan3A_92 {offsets = [0], sizes = [1], strides = [1]} : vector<16xi32> to vector<1xi32>
        %squeeze3A_113 = vector.extract %slice3A_112[0] : i32 from vector<1xi32>
        %swap3A_114 = arith.index_cast %squeeze3A_113 : i32 to index
        %swap3A_115 = tpu.vector_load %arg9[%swap3A_114] masked %and3A {strides = array<i32>} : memref<528xf32, #tpu.memory_space<vmem>>, vector<16xf32>, vector<16xi1>
        tpu.vector_store %arg9[%swap3A_114], %get3A_99 masked %and3A {strides = array<i32>} : memref<528xf32, #tpu.memory_space<vmem>>, vector<16xf32>, vector<16xi1>
        %all_reduce_population_count3A = tpu.all_reduce %and3A {dim = 0 : i64, kind = #tpu.reduction_kind<sum>} : vector<16xi1> -> vector<16xi32>
        %add3A_116 = arith.addi %scan3A_92, %all_reduce_population_count3A : vector<16xi32>
        %scan3A_117 = arith.constant 1 : i32
        %scan3A_118 = arith.addi %scan3A_91, %scan3A_117 : i32
        %mul3A_119 = arith.constant 16 : i32
        %mul3A_120 = arith.muli %scan3A_118, %mul3A_119 : i32
        %get3A_121 = arith.index_cast %mul3A_120 : i32 to index
        %get3A_122 = tpu.vector_load %arg6[%get3A_121] {strides = array<i32>} : memref<528xi32, #tpu.memory_space<vmem>>, vector<16xi32>,
        %add3A_123 = arith.addi %mul3A_67, %mul3A_120 : i32
        %get3A_124 = arith.index_cast %add3A_123 : i32 to index
        %get3A_125 = tpu.vector_load %arg7[%get3A_124] {strides = array<i32>} : memref<8192xf32, #tpu.memory_space<vmem>>, vector<16xf32>,
        %add3A_126 = vector.broadcast %mul3A_120 : i32 to vector<16xi32>
        %add3A_127 = arith.addi %iota3A, %add3A_126 : vector<16xi32>
        %eq3A_128 = vector.broadcast %squeeze3A : i32 to vector<16xi32>
        %eq3A_129 = arith.cmpi eq, %get3A_122, %eq3A_128 : vector<16xi32>
        %ne3A_130 = vector.broadcast %add3A_64 : i32 to vector<16xi32>
        %ne3A_131 = arith.cmpi ne, %add3A_127, %ne3A_130 : vector<16xi32>
        %and3A_132 = arith.andi %eq3A_129, %ne3A_131 : vector<16xi1>
        %ne3A_133 = vector.broadcast %squeeze3A : i32 to vector<16xi32>
        %ne3A_134 = arith.cmpi ne, %get3A_122, %ne3A_133 : vector<16xi32>
        %jit3A_135 = arith.constant 3.000000e+38 : f32
        %broadcast_in_dim3A_136 = vector.broadcast %jit3A_135 : f32 to vector<16xf32>
        %select_n3A_137 = arith.select %ne3A_134, %get3A_125, %broadcast_in_dim3A_136 : vector<16xi1>, vector<16xf32>
        %swap3A_138 = arith.index_cast %mul3A_120 : i32 to index
        %swap3A_139 = tpu.vector_load %arg8[%swap3A_138] {strides = array<i32>} : memref<512xf32, #tpu.memory_space<vmem>>, vector<16xf32>,
        tpu.vector_store %arg8[%swap3A_138], %select_n3A_137 {strides = array<i32>} : memref<512xf32, #tpu.memory_space<vmem>>, vector<16xf32>,
        %slice3A_140 = vector.extract_strided_slice %add3A_116 {offsets = [0], sizes = [1], strides = [1]} : vector<16xi32> to vector<1xi32>
        %squeeze3A_141 = vector.extract %slice3A_140[0] : i32 from vector<1xi32>
        %swap3A_142 = arith.index_cast %squeeze3A_141 : i32 to index
        %swap3A_143 = tpu.vector_load %arg9[%swap3A_142] masked %and3A_132 {strides = array<i32>} : memref<528xf32, #tpu.memory_space<vmem>>, vector<16xf32>, vector<16xi1>
        tpu.vector_store %arg9[%swap3A_142], %get3A_125 masked %and3A_132 {strides = array<i32>} : memref<528xf32, #tpu.memory_space<vmem>>, vector<16xf32>, vector<16xi1>
        %all_reduce_population_count3A_144 = tpu.all_reduce %and3A_132 {dim = 0 : i64, kind = #tpu.reduction_kind<sum>} : vector<16xi1> -> vector<16xi32>
        %add3A_145 = arith.addi %add3A_116, %all_reduce_population_count3A_144 : vector<16xi32>
        %scan3A_146 = arith.constant 2 : i32
        %scan3A_147 = arith.addi %scan3A_91, %scan3A_146 : i32
        %mul3A_148 = arith.constant 16 : i32
        %mul3A_149 = arith.muli %scan3A_147, %mul3A_148 : i32
        %get3A_150 = arith.index_cast %mul3A_149 : i32 to index
        %get3A_151 = tpu.vector_load %arg6[%get3A_150] {strides = array<i32>} : memref<528xi32, #tpu.memory_space<vmem>>, vector<16xi32>,
        %add3A_152 = arith.addi %mul3A_67, %mul3A_149 : i32
        %get3A_153 = arith.index_cast %add3A_152 : i32 to index
        %get3A_154 = tpu.vector_load %arg7[%get3A_153] {strides = array<i32>} : memref<8192xf32, #tpu.memory_space<vmem>>, vector<16xf32>,
        %add3A_155 = vector.broadcast %mul3A_149 : i32 to vector<16xi32>
        %add3A_156 = arith.addi %iota3A, %add3A_155 : vector<16xi32>
        %eq3A_157 = vector.broadcast %squeeze3A : i32 to vector<16xi32>
        %eq3A_158 = arith.cmpi eq, %get3A_151, %eq3A_157 : vector<16xi32>
        %ne3A_159 = vector.broadcast %add3A_64 : i32 to vector<16xi32>
        %ne3A_160 = arith.cmpi ne, %add3A_156, %ne3A_159 : vector<16xi32>
        %and3A_161 = arith.andi %eq3A_158, %ne3A_160 : vector<16xi1>
        %ne3A_162 = vector.broadcast %squeeze3A : i32 to vector<16xi32>
        %ne3A_163 = arith.cmpi ne, %get3A_151, %ne3A_162 : vector<16xi32>
        %jit3A_164 = arith.constant 3.000000e+38 : f32
        %broadcast_in_dim3A_165 = vector.broadcast %jit3A_164 : f32 to vector<16xf32>
        %select_n3A_166 = arith.select %ne3A_163, %get3A_154, %broadcast_in_dim3A_165 : vector<16xi1>, vector<16xf32>
        %swap3A_167 = arith.index_cast %mul3A_149 : i32 to index
        %swap3A_168 = tpu.vector_load %arg8[%swap3A_167] {strides = array<i32>} : memref<512xf32, #tpu.memory_space<vmem>>, vector<16xf32>,
        tpu.vector_store %arg8[%swap3A_167], %select_n3A_166 {strides = array<i32>} : memref<512xf32, #tpu.memory_space<vmem>>, vector<16xf32>,
        %slice3A_169 = vector.extract_strided_slice %add3A_145 {offsets = [0], sizes = [1], strides = [1]} : vector<16xi32> to vector<1xi32>
        %squeeze3A_170 = vector.extract %slice3A_169[0] : i32 from vector<1xi32>
        %swap3A_171 = arith.index_cast %squeeze3A_170 : i32 to index
        %swap3A_172 = tpu.vector_load %arg9[%swap3A_171] masked %and3A_161 {strides = array<i32>} : memref<528xf32, #tpu.memory_space<vmem>>, vector<16xf32>, vector<16xi1>
        tpu.vector_store %arg9[%swap3A_171], %get3A_154 masked %and3A_161 {strides = array<i32>} : memref<528xf32, #tpu.memory_space<vmem>>, vector<16xf32>, vector<16xi1>
        %all_reduce_population_count3A_173 = tpu.all_reduce %and3A_161 {dim = 0 : i64, kind = #tpu.reduction_kind<sum>} : vector<16xi1> -> vector<16xi32>
        %add3A_174 = arith.addi %add3A_145, %all_reduce_population_count3A_173 : vector<16xi32>
        %scan3A_175 = arith.constant 3 : i32
        %scan3A_176 = arith.addi %scan3A_91, %scan3A_175 : i32
        %mul3A_177 = arith.constant 16 : i32
        %mul3A_178 = arith.muli %scan3A_176, %mul3A_177 : i32
        %get3A_179 = arith.index_cast %mul3A_178 : i32 to index
        %get3A_180 = tpu.vector_load %arg6[%get3A_179] {strides = array<i32>} : memref<528xi32, #tpu.memory_space<vmem>>, vector<16xi32>,
        %add3A_181 = arith.addi %mul3A_67, %mul3A_178 : i32
        %get3A_182 = arith.index_cast %add3A_181 : i32 to index
        %get3A_183 = tpu.vector_load %arg7[%get3A_182] {strides = array<i32>} : memref<8192xf32, #tpu.memory_space<vmem>>, vector<16xf32>,
        %add3A_184 = vector.broadcast %mul3A_178 : i32 to vector<16xi32>
        %add3A_185 = arith.addi %iota3A, %add3A_184 : vector<16xi32>
        %eq3A_186 = vector.broadcast %squeeze3A : i32 to vector<16xi32>
        %eq3A_187 = arith.cmpi eq, %get3A_180, %eq3A_186 : vector<16xi32>
        %ne3A_188 = vector.broadcast %add3A_64 : i32 to vector<16xi32>
        %ne3A_189 = arith.cmpi ne, %add3A_185, %ne3A_188 : vector<16xi32>
        %and3A_190 = arith.andi %eq3A_187, %ne3A_189 : vector<16xi1>
        %ne3A_191 = vector.broadcast %squeeze3A : i32 to vector<16xi32>
        %ne3A_192 = arith.cmpi ne, %get3A_180, %ne3A_191 : vector<16xi32>
        %jit3A_193 = arith.constant 3.000000e+38 : f32
        %broadcast_in_dim3A_194 = vector.broadcast %jit3A_193 : f32 to vector<16xf32>
        %select_n3A_195 = arith.select %ne3A_192, %get3A_183, %broadcast_in_dim3A_194 : vector<16xi1>, vector<16xf32>
        %swap3A_196 = arith.index_cast %mul3A_178 : i32 to index
        %swap3A_197 = tpu.vector_load %arg8[%swap3A_196] {strides = array<i32>} : memref<512xf32, #tpu.memory_space<vmem>>, vector<16xf32>,
        tpu.vector_store %arg8[%swap3A_196], %select_n3A_195 {strides = array<i32>} : memref<512xf32, #tpu.memory_space<vmem>>, vector<16xf32>,
        %slice3A_198 = vector.extract_strided_slice %add3A_174 {offsets = [0], sizes = [1], strides = [1]} : vector<16xi32> to vector<1xi32>
        %squeeze3A_199 = vector.extract %slice3A_198[0] : i32 from vector<1xi32>
        %swap3A_200 = arith.index_cast %squeeze3A_199 : i32 to index
        %swap3A_201 = tpu.vector_load %arg9[%swap3A_200] masked %and3A_190 {strides = array<i32>} : memref<528xf32, #tpu.memory_space<vmem>>, vector<16xf32>, vector<16xi1>
        tpu.vector_store %arg9[%swap3A_200], %get3A_183 masked %and3A_190 {strides = array<i32>} : memref<528xf32, #tpu.memory_space<vmem>>, vector<16xf32>, vector<16xi1>
        %all_reduce_population_count3A_202 = tpu.all_reduce %and3A_190 {dim = 0 : i64, kind = #tpu.reduction_kind<sum>} : vector<16xi1> -> vector<16xi32>
        %add3A_203 = arith.addi %add3A_174, %all_reduce_population_count3A_202 : vector<16xi32>
        %scan3A_204 = arith.constant 4 : i32
        %scan3A_205 = arith.addi %scan3A_91, %scan3A_204 : i32
        %mul3A_206 = arith.constant 16 : i32
        %mul3A_207 = arith.muli %scan3A_205, %mul3A_206 : i32
        %get3A_208 = arith.index_cast %mul3A_207 : i32 to index
        %get3A_209 = tpu.vector_load %arg6[%get3A_208] {strides = array<i32>} : memref<528xi32, #tpu.memory_space<vmem>>, vector<16xi32>,
        %add3A_210 = arith.addi %mul3A_67, %mul3A_207 : i32
        %get3A_211 = arith.index_cast %add3A_210 : i32 to index
        %get3A_212 = tpu.vector_load %arg7[%get3A_211] {strides = array<i32>} : memref<8192xf32, #tpu.memory_space<vmem>>, vector<16xf32>,
        %add3A_213 = vector.broadcast %mul3A_207 : i32 to vector<16xi32>
        %add3A_214 = arith.addi %iota3A, %add3A_213 : vector<16xi32>
        %eq3A_215 = vector.broadcast %squeeze3A : i32 to vector<16xi32>
        %eq3A_216 = arith.cmpi eq, %get3A_209, %eq3A_215 : vector<16xi32>
        %ne3A_217 = vector.broadcast %add3A_64 : i32 to vector<16xi32>
        %ne3A_218 = arith.cmpi ne, %add3A_214, %ne3A_217 : vector<16xi32>
        %and3A_219 = arith.andi %eq3A_216, %ne3A_218 : vector<16xi1>
        %ne3A_220 = vector.broadcast %squeeze3A : i32 to vector<16xi32>
        %ne3A_221 = arith.cmpi ne, %get3A_209, %ne3A_220 : vector<16xi32>
        %jit3A_222 = arith.constant 3.000000e+38 : f32
        %broadcast_in_dim3A_223 = vector.broadcast %jit3A_222 : f32 to vector<16xf32>
        %select_n3A_224 = arith.select %ne3A_221, %get3A_212, %broadcast_in_dim3A_223 : vector<16xi1>, vector<16xf32>
        %swap3A_225 = arith.index_cast %mul3A_207 : i32 to index
        %swap3A_226 = tpu.vector_load %arg8[%swap3A_225] {strides = array<i32>} : memref<512xf32, #tpu.memory_space<vmem>>, vector<16xf32>,
        tpu.vector_store %arg8[%swap3A_225], %select_n3A_224 {strides = array<i32>} : memref<512xf32, #tpu.memory_space<vmem>>, vector<16xf32>,
        %slice3A_227 = vector.extract_strided_slice %add3A_203 {offsets = [0], sizes = [1], strides = [1]} : vector<16xi32> to vector<1xi32>
        %squeeze3A_228 = vector.extract %slice3A_227[0] : i32 from vector<1xi32>
        %swap3A_229 = arith.index_cast %squeeze3A_228 : i32 to index
        %swap3A_230 = tpu.vector_load %arg9[%swap3A_229] masked %and3A_219 {strides = array<i32>} : memref<528xf32, #tpu.memory_space<vmem>>, vector<16xf32>, vector<16xi1>
        tpu.vector_store %arg9[%swap3A_229], %get3A_212 masked %and3A_219 {strides = array<i32>} : memref<528xf32, #tpu.memory_space<vmem>>, vector<16xf32>, vector<16xi1>
        %all_reduce_population_count3A_231 = tpu.all_reduce %and3A_219 {dim = 0 : i64, kind = #tpu.reduction_kind<sum>} : vector<16xi1> -> vector<16xi32>
        %add3A_232 = arith.addi %add3A_203, %all_reduce_population_count3A_231 : vector<16xi32>
        %scan3A_233 = arith.constant 5 : i32
        %scan3A_234 = arith.addi %scan3A_91, %scan3A_233 : i32
        %mul3A_235 = arith.constant 16 : i32
        %mul3A_236 = arith.muli %scan3A_234, %mul3A_235 : i32
        %get3A_237 = arith.index_cast %mul3A_236 : i32 to index
        %get3A_238 = tpu.vector_load %arg6[%get3A_237] {strides = array<i32>} : memref<528xi32, #tpu.memory_space<vmem>>, vector<16xi32>,
        %add3A_239 = arith.addi %mul3A_67, %mul3A_236 : i32
        %get3A_240 = arith.index_cast %add3A_239 : i32 to index
        %get3A_241 = tpu.vector_load %arg7[%get3A_240] {strides = array<i32>} : memref<8192xf32, #tpu.memory_space<vmem>>, vector<16xf32>,
        %add3A_242 = vector.broadcast %mul3A_236 : i32 to vector<16xi32>
        %add3A_243 = arith.addi %iota3A, %add3A_242 : vector<16xi32>
        %eq3A_244 = vector.broadcast %squeeze3A : i32 to vector<16xi32>
        %eq3A_245 = arith.cmpi eq, %get3A_238, %eq3A_244 : vector<16xi32>
        %ne3A_246 = vector.broadcast %add3A_64 : i32 to vector<16xi32>
        %ne3A_247 = arith.cmpi ne, %add3A_243, %ne3A_246 : vector<16xi32>
        %and3A_248 = arith.andi %eq3A_245, %ne3A_247 : vector<16xi1>
        %ne3A_249 = vector.broadcast %squeeze3A : i32 to vector<16xi32>
        %ne3A_250 = arith.cmpi ne, %get3A_238, %ne3A_249 : vector<16xi32>
        %jit3A_251 = arith.constant 3.000000e+38 : f32
        %broadcast_in_dim3A_252 = vector.broadcast %jit3A_251 : f32 to vector<16xf32>
        %select_n3A_253 = arith.select %ne3A_250, %get3A_241, %broadcast_in_dim3A_252 : vector<16xi1>, vector<16xf32>
        %swap3A_254 = arith.index_cast %mul3A_236 : i32 to index
        %swap3A_255 = tpu.vector_load %arg8[%swap3A_254] {strides = array<i32>} : memref<512xf32, #tpu.memory_space<vmem>>, vector<16xf32>,
        tpu.vector_store %arg8[%swap3A_254], %select_n3A_253 {strides = array<i32>} : memref<512xf32, #tpu.memory_space<vmem>>, vector<16xf32>,
        %slice3A_256 = vector.extract_strided_slice %add3A_232 {offsets = [0], sizes = [1], strides = [1]} : vector<16xi32> to vector<1xi32>
        %squeeze3A_257 = vector.extract %slice3A_256[0] : i32 from vector<1xi32>
        %swap3A_258 = arith.index_cast %squeeze3A_257 : i32 to index
        %swap3A_259 = tpu.vector_load %arg9[%swap3A_258] masked %and3A_248 {strides = array<i32>} : memref<528xf32, #tpu.memory_space<vmem>>, vector<16xf32>, vector<16xi1>
        tpu.vector_store %arg9[%swap3A_258], %get3A_241 masked %and3A_248 {strides = array<i32>} : memref<528xf32, #tpu.memory_space<vmem>>, vector<16xf32>, vector<16xi1>
        %all_reduce_population_count3A_260 = tpu.all_reduce %and3A_248 {dim = 0 : i64, kind = #tpu.reduction_kind<sum>} : vector<16xi1> -> vector<16xi32>
        %add3A_261 = arith.addi %add3A_232, %all_reduce_population_count3A_260 : vector<16xi32>
        %scan3A_262 = arith.constant 6 : i32
        %scan3A_263 = arith.addi %scan3A_91, %scan3A_262 : i32
        %mul3A_264 = arith.constant 16 : i32
        %mul3A_265 = arith.muli %scan3A_263, %mul3A_264 : i32
        %get3A_266 = arith.index_cast %mul3A_265 : i32 to index
        %get3A_267 = tpu.vector_load %arg6[%get3A_266] {strides = array<i32>} : memref<528xi32, #tpu.memory_space<vmem>>, vector<16xi32>,
        %add3A_268 = arith.addi %mul3A_67, %mul3A_265 : i32
        %get3A_269 = arith.index_cast %add3A_268 : i32 to index
        %get3A_270 = tpu.vector_load %arg7[%get3A_269] {strides = array<i32>} : memref<8192xf32, #tpu.memory_space<vmem>>, vector<16xf32>,
        %add3A_271 = vector.broadcast %mul3A_265 : i32 to vector<16xi32>
        %add3A_272 = arith.addi %iota3A, %add3A_271 : vector<16xi32>
        %eq3A_273 = vector.broadcast %squeeze3A : i32 to vector<16xi32>
        %eq3A_274 = arith.cmpi eq, %get3A_267, %eq3A_273 : vector<16xi32>
        %ne3A_275 = vector.broadcast %add3A_64 : i32 to vector<16xi32>
        %ne3A_276 = arith.cmpi ne, %add3A_272, %ne3A_275 : vector<16xi32>
        %and3A_277 = arith.andi %eq3A_274, %ne3A_276 : vector<16xi1>
        %ne3A_278 = vector.broadcast %squeeze3A : i32 to vector<16xi32>
        %ne3A_279 = arith.cmpi ne, %get3A_267, %ne3A_278 : vector<16xi32>
        %jit3A_280 = arith.constant 3.000000e+38 : f32
        %broadcast_in_dim3A_281 = vector.broadcast %jit3A_280 : f32 to vector<16xf32>
        %select_n3A_282 = arith.select %ne3A_279, %get3A_270, %broadcast_in_dim3A_281 : vector<16xi1>, vector<16xf32>
        %swap3A_283 = arith.index_cast %mul3A_265 : i32 to index
        %swap3A_284 = tpu.vector_load %arg8[%swap3A_283] {strides = array<i32>} : memref<512xf32, #tpu.memory_space<vmem>>, vector<16xf32>,
        tpu.vector_store %arg8[%swap3A_283], %select_n3A_282 {strides = array<i32>} : memref<512xf32, #tpu.memory_space<vmem>>, vector<16xf32>,
        %slice3A_285 = vector.extract_strided_slice %add3A_261 {offsets = [0], sizes = [1], strides = [1]} : vector<16xi32> to vector<1xi32>
        %squeeze3A_286 = vector.extract %slice3A_285[0] : i32 from vector<1xi32>
        %swap3A_287 = arith.index_cast %squeeze3A_286 : i32 to index
        %swap3A_288 = tpu.vector_load %arg9[%swap3A_287] masked %and3A_277 {strides = array<i32>} : memref<528xf32, #tpu.memory_space<vmem>>, vector<16xf32>, vector<16xi1>
        tpu.vector_store %arg9[%swap3A_287], %get3A_270 masked %and3A_277 {strides = array<i32>} : memref<528xf32, #tpu.memory_space<vmem>>, vector<16xf32>, vector<16xi1>
        %all_reduce_population_count3A_289 = tpu.all_reduce %and3A_277 {dim = 0 : i64, kind = #tpu.reduction_kind<sum>} : vector<16xi1> -> vector<16xi32>
        %add3A_290 = arith.addi %add3A_261, %all_reduce_population_count3A_289 : vector<16xi32>
        %scan3A_291 = arith.constant 7 : i32
        %scan3A_292 = arith.addi %scan3A_91, %scan3A_291 : i32
        %mul3A_293 = arith.constant 16 : i32
        %mul3A_294 = arith.muli %scan3A_292, %mul3A_293 : i32
        %get3A_295 = arith.index_cast %mul3A_294 : i32 to index
        %get3A_296 = tpu.vector_load %arg6[%get3A_295] {strides = array<i32>} : memref<528xi32, #tpu.memory_space<vmem>>, vector<16xi32>,
        %add3A_297 = arith.addi %mul3A_67, %mul3A_294 : i32
        %get3A_298 = arith.index_cast %add3A_297 : i32 to index
        %get3A_299 = tpu.vector_load %arg7[%get3A_298] {strides = array<i32>} : memref<8192xf32, #tpu.memory_space<vmem>>, vector<16xf32>,
        %add3A_300 = vector.broadcast %mul3A_294 : i32 to vector<16xi32>
        %add3A_301 = arith.addi %iota3A, %add3A_300 : vector<16xi32>
        %eq3A_302 = vector.broadcast %squeeze3A : i32 to vector<16xi32>
        %eq3A_303 = arith.cmpi eq, %get3A_296, %eq3A_302 : vector<16xi32>
        %ne3A_304 = vector.broadcast %add3A_64 : i32 to vector<16xi32>
        %ne3A_305 = arith.cmpi ne, %add3A_301, %ne3A_304 : vector<16xi32>
        %and3A_306 = arith.andi %eq3A_303, %ne3A_305 : vector<16xi1>
        %ne3A_307 = vector.broadcast %squeeze3A : i32 to vector<16xi32>
        %ne3A_308 = arith.cmpi ne, %get3A_296, %ne3A_307 : vector<16xi32>
        %jit3A_309 = arith.constant 3.000000e+38 : f32
        %broadcast_in_dim3A_310 = vector.broadcast %jit3A_309 : f32 to vector<16xf32>
        %select_n3A_311 = arith.select %ne3A_308, %get3A_299, %broadcast_in_dim3A_310 : vector<16xi1>, vector<16xf32>
        %swap3A_312 = arith.index_cast %mul3A_294 : i32 to index
        %swap3A_313 = tpu.vector_load %arg8[%swap3A_312] {strides = array<i32>} : memref<512xf32, #tpu.memory_space<vmem>>, vector<16xf32>,
        tpu.vector_store %arg8[%swap3A_312], %select_n3A_311 {strides = array<i32>} : memref<512xf32, #tpu.memory_space<vmem>>, vector<16xf32>,
        %slice3A_314 = vector.extract_strided_slice %add3A_290 {offsets = [0], sizes = [1], strides = [1]} : vector<16xi32> to vector<1xi32>
        %squeeze3A_315 = vector.extract %slice3A_314[0] : i32 from vector<1xi32>
        %swap3A_316 = arith.index_cast %squeeze3A_315 : i32 to index
        %swap3A_317 = tpu.vector_load %arg9[%swap3A_316] masked %and3A_306 {strides = array<i32>} : memref<528xf32, #tpu.memory_space<vmem>>, vector<16xf32>, vector<16xi1>
        tpu.vector_store %arg9[%swap3A_316], %get3A_299 masked %and3A_306 {strides = array<i32>} : memref<528xf32, #tpu.memory_space<vmem>>, vector<16xf32>, vector<16xi1>
        %all_reduce_population_count3A_318 = tpu.all_reduce %and3A_306 {dim = 0 : i64, kind = #tpu.reduction_kind<sum>} : vector<16xi1> -> vector<16xi32>
        %add3A_319 = arith.addi %add3A_290, %all_reduce_population_count3A_318 : vector<16xi32>
        scf.yield %add3A_319 : vector<16xi32>
      }
      %scan3A_75 = arith.constant 32 : i32
      %slice3A_76 = vector.extract_strided_slice %scan3A_74 {offsets = [0], sizes = [1], strides = [1]} : vector<16xi32> to vector<1xi32>
      %squeeze3A_77 = vector.extract %slice3A_76[0] : i32 from vector<1xi32>
      %sub3A = arith.constant 511 : i32
      %sub3A_78 = arith.subi %sub3A, %squeeze3A_77 : i32
      %mul3A_79 = arith.muli %squeeze3A_77, %sub3A_78 : i32
      %add3A_80 = arith.addi %scan3A_61, %mul3A_79 : i32
      %while3A = arith.constant 0 : i32
      %while3A_81 = arith.subi %squeeze3A_77, %while3A : i32
      %while3A_82 = arith.addi %while3A, %while3A_81 : i32
      %while3A_83 = arith.constant 1 : i32
      %while3A_84 = arith.divsi %while3A_81, %while3A_83 : i32
      %while3A_85 = arith.muli %while3A_84, %while3A_83 : i32
      %while3A_86 = arith.addi %while3A, %while3A_85 : i32
      %while3A_87 = arith.constant 1 : i32
      %while3A_88:2 = scf.for %while3A_91 = %while3A to %while3A_86 step %while3A_87 iter_args(%while3A_92 = %scan3A_59, %while3A_93 = %scan3A_60) -> (vector<16xf32>, vector<16xf32>)  : i32 {
        %get3A_94 = arith.index_cast %while3A_91 : i32 to index
        %get3A_95 = tpu.vector_load %arg9[%get3A_94] {strides = array<i32>} : memref<528xf32, #tpu.memory_space<vmem>>, vector<16xf32>,
        %slice3A_96 = vector.extract_strided_slice %get3A_95 {offsets = [0], sizes = [1], strides = [1]} : vector<16xf32> to vector<1xf32>
        %squeeze3A_97 = vector.extract %slice3A_96[0] : f32 from vector<1xf32>
        %add3A_98 = arith.constant 2.000000e-01 : f32
        %add3A_99 = arith.addf %squeeze3A_97, %add3A_98 : f32
        %scan3A_100 = arith.constant 0 : i32
        %scan3A_101 = arith.constant 16 : i32
        %scan3A_102 = arith.addi %scan3A_100, %scan3A_101 : i32
        %scan3A_103 = arith.constant 4 : i32
        %scan3A_104:2 = scf.for %scan3A_106 = %scan3A_100 to %scan3A_102 step %scan3A_103 iter_args(%scan3A_107 = %while3A_92, %scan3A_108 = %while3A_93) -> (vector<16xf32>, vector<16xf32>)  : i32 {
          %mul3A_109 = arith.constant 2 : i32
          %mul3A_110 = arith.muli %scan3A_106, %mul3A_109 : i32
          %mul3A_111 = arith.constant 16 : i32
          %mul3A_112 = arith.muli %mul3A_110, %mul3A_111 : i32
          %get3A_113 = arith.index_cast %mul3A_112 : i32 to index
          %get3A_114 = tpu.vector_load %arg8[%get3A_113] {strides = array<i32>} : memref<512xf32, #tpu.memory_space<vmem>>, vector<16xf32>,
          %add3A_115 = arith.constant 16 : i32
          %add3A_116 = arith.addi %mul3A_112, %add3A_115 : i32
          %get3A_117 = arith.index_cast %add3A_116 : i32 to index
          %get3A_118 = tpu.vector_load %arg8[%get3A_117] {strides = array<i32>} : memref<512xf32, #tpu.memory_space<vmem>>, vector<16xf32>,
          %sub3A_119 = vector.broadcast %add3A_99 : f32 to vector<16xf32>
          %sub3A_120 = arith.subf %sub3A_119, %get3A_114 : vector<16xf32>
          %max3A = arith.constant 0.000000e+00 : f32
          %max3A_121 = vector.broadcast %max3A : f32 to vector<16xf32>
          %max3A_122 = arith.maximumf %sub3A_120, %max3A_121 : vector<16xf32>
          %add3A_123 = arith.addf %scan3A_107, %max3A_122 : vector<16xf32>
          %sub3A_124 = vector.broadcast %add3A_99 : f32 to vector<16xf32>
          %sub3A_125 = arith.subf %sub3A_124, %get3A_118 : vector<16xf32>
          %max3A_126 = arith.constant 0.000000e+00 : f32
          %max3A_127 = vector.broadcast %max3A_126 : f32 to vector<16xf32>
          %max3A_128 = arith.maximumf %sub3A_125, %max3A_127 : vector<16xf32>
          %add3A_129 = arith.addf %scan3A_108, %max3A_128 : vector<16xf32>
          %scan3A_130 = arith.constant 1 : i32
          %scan3A_131 = arith.addi %scan3A_106, %scan3A_130 : i32
          %mul3A_132 = arith.constant 2 : i32
          %mul3A_133 = arith.muli %scan3A_131, %mul3A_132 : i32
          %mul3A_134 = arith.constant 16 : i32
          %mul3A_135 = arith.muli %mul3A_133, %mul3A_134 : i32
          %get3A_136 = arith.index_cast %mul3A_135 : i32 to index
          %get3A_137 = tpu.vector_load %arg8[%get3A_136] {strides = array<i32>} : memref<512xf32, #tpu.memory_space<vmem>>, vector<16xf32>,
          %add3A_138 = arith.constant 16 : i32
          %add3A_139 = arith.addi %mul3A_135, %add3A_138 : i32
          %get3A_140 = arith.index_cast %add3A_139 : i32 to index
          %get3A_141 = tpu.vector_load %arg8[%get3A_140] {strides = array<i32>} : memref<512xf32, #tpu.memory_space<vmem>>, vector<16xf32>,
          %sub3A_142 = vector.broadcast %add3A_99 : f32 to vector<16xf32>
          %sub3A_143 = arith.subf %sub3A_142, %get3A_137 : vector<16xf32>
          %max3A_144 = arith.constant 0.000000e+00 : f32
          %max3A_145 = vector.broadcast %max3A_144 : f32 to vector<16xf32>
          %max3A_146 = arith.maximumf %sub3A_143, %max3A_145 : vector<16xf32>
          %add3A_147 = arith.addf %add3A_123, %max3A_146 : vector<16xf32>
          %sub3A_148 = vector.broadcast %add3A_99 : f32 to vector<16xf32>
          %sub3A_149 = arith.subf %sub3A_148, %get3A_141 : vector<16xf32>
          %max3A_150 = arith.constant 0.000000e+00 : f32
          %max3A_151 = vector.broadcast %max3A_150 : f32 to vector<16xf32>
          %max3A_152 = arith.maximumf %sub3A_149, %max3A_151 : vector<16xf32>
          %add3A_153 = arith.addf %add3A_129, %max3A_152 : vector<16xf32>
          %scan3A_154 = arith.constant 2 : i32
          %scan3A_155 = arith.addi %scan3A_106, %scan3A_154 : i32
          %mul3A_156 = arith.constant 2 : i32
          %mul3A_157 = arith.muli %scan3A_155, %mul3A_156 : i32
          %mul3A_158 = arith.constant 16 : i32
          %mul3A_159 = arith.muli %mul3A_157, %mul3A_158 : i32
          %get3A_160 = arith.index_cast %mul3A_159 : i32 to index
          %get3A_161 = tpu.vector_load %arg8[%get3A_160] {strides = array<i32>} : memref<512xf32, #tpu.memory_space<vmem>>, vector<16xf32>,
          %add3A_162 = arith.constant 16 : i32
          %add3A_163 = arith.addi %mul3A_159, %add3A_162 : i32
          %get3A_164 = arith.index_cast %add3A_163 : i32 to index
          %get3A_165 = tpu.vector_load %arg8[%get3A_164] {strides = array<i32>} : memref<512xf32, #tpu.memory_space<vmem>>, vector<16xf32>,
          %sub3A_166 = vector.broadcast %add3A_99 : f32 to vector<16xf32>
          %sub3A_167 = arith.subf %sub3A_166, %get3A_161 : vector<16xf32>
          %max3A_168 = arith.constant 0.000000e+00 : f32
          %max3A_169 = vector.broadcast %max3A_168 : f32 to vector<16xf32>
          %max3A_170 = arith.maximumf %sub3A_167, %max3A_169 : vector<16xf32>
          %add3A_171 = arith.addf %add3A_147, %max3A_170 : vector<16xf32>
          %sub3A_172 = vector.broadcast %add3A_99 : f32 to vector<16xf32>
          %sub3A_173 = arith.subf %sub3A_172, %get3A_165 : vector<16xf32>
          %max3A_174 = arith.constant 0.000000e+00 : f32
          %max3A_175 = vector.broadcast %max3A_174 : f32 to vector<16xf32>
          %max3A_176 = arith.maximumf %sub3A_173, %max3A_175 : vector<16xf32>
          %add3A_177 = arith.addf %add3A_153, %max3A_176 : vector<16xf32>
          %scan3A_178 = arith.constant 3 : i32
          %scan3A_179 = arith.addi %scan3A_106, %scan3A_178 : i32
          %mul3A_180 = arith.constant 2 : i32
          %mul3A_181 = arith.muli %scan3A_179, %mul3A_180 : i32
          %mul3A_182 = arith.constant 16 : i32
          %mul3A_183 = arith.muli %mul3A_181, %mul3A_182 : i32
          %get3A_184 = arith.index_cast %mul3A_183 : i32 to index
          %get3A_185 = tpu.vector_load %arg8[%get3A_184] {strides = array<i32>} : memref<512xf32, #tpu.memory_space<vmem>>, vector<16xf32>,
          %add3A_186 = arith.constant 16 : i32
          %add3A_187 = arith.addi %mul3A_183, %add3A_186 : i32
          %get3A_188 = arith.index_cast %add3A_187 : i32 to index
          %get3A_189 = tpu.vector_load %arg8[%get3A_188] {strides = array<i32>} : memref<512xf32, #tpu.memory_space<vmem>>, vector<16xf32>,
          %sub3A_190 = vector.broadcast %add3A_99 : f32 to vector<16xf32>
          %sub3A_191 = arith.subf %sub3A_190, %get3A_185 : vector<16xf32>
          %max3A_192 = arith.constant 0.000000e+00 : f32
          %max3A_193 = vector.broadcast %max3A_192 : f32 to vector<16xf32>
          %max3A_194 = arith.maximumf %sub3A_191, %max3A_193 : vector<16xf32>
          %add3A_195 = arith.addf %add3A_171, %max3A_194 : vector<16xf32>
          %sub3A_196 = vector.broadcast %add3A_99 : f32 to vector<16xf32>
          %sub3A_197 = arith.subf %sub3A_196, %get3A_189 : vector<16xf32>
          %max3A_198 = arith.constant 0.000000e+00 : f32
          %max3A_199 = vector.broadcast %max3A_198 : f32 to vector<16xf32>
          %max3A_200 = arith.maximumf %sub3A_197, %max3A_199 : vector<16xf32>
          %add3A_201 = arith.addf %add3A_177, %max3A_200 : vector<16xf32>
          scf.yield %add3A_195, %add3A_201 : vector<16xf32>, vector<16xf32>
        }
        %scan3A_105 = arith.constant 16 : i32
        scf.yield %scan3A_104#0, %scan3A_104#1 : vector<16xf32>, vector<16xf32>
      }
      %while3A_89 = arith.constant 1 : i32
      %while3A_90:2 = scf.for %while3A_91 = %while3A_86 to %while3A_82 step %while3A_89 iter_args(%while3A_92 = %while3A_88#0, %while3A_93 = %while3A_88#1) -> (vector<16xf32>, vector<16xf32>)  : i32 {
        %get3A_94 = arith.index_cast %while3A_91 : i32 to index
        %get3A_95 = tpu.vector_load %arg9[%get3A_94] {strides = array<i32>} : memref<528xf32, #tpu.memory_space<vmem>>, vector<16xf32>,
        %slice3A_96 = vector.extract_strided_slice %get3A_95 {offsets = [0], sizes = [1], strides = [1]} : vector<16xf32> to vector<1xf32>
        %squeeze3A_97 = vector.extract %slice3A_96[0] : f32 from vector<1xf32>
        %add3A_98 = arith.constant 2.000000e-01 : f32
        %add3A_99 = arith.addf %squeeze3A_97, %add3A_98 : f32
        %scan3A_100 = arith.constant 0 : i32
        %scan3A_101 = arith.constant 16 : i32
        %scan3A_102 = arith.addi %scan3A_100, %scan3A_101 : i32
        %scan3A_103 = arith.constant 4 : i32
        %scan3A_104:2 = scf.for %scan3A_106 = %scan3A_100 to %scan3A_102 step %scan3A_103 iter_args(%scan3A_107 = %while3A_92, %scan3A_108 = %while3A_93) -> (vector<16xf32>, vector<16xf32>)  : i32 {
          %mul3A_109 = arith.constant 2 : i32
          %mul3A_110 = arith.muli %scan3A_106, %mul3A_109 : i32
          %mul3A_111 = arith.constant 16 : i32
          %mul3A_112 = arith.muli %mul3A_110, %mul3A_111 : i32
          %get3A_113 = arith.index_cast %mul3A_112 : i32 to index
          %get3A_114 = tpu.vector_load %arg8[%get3A_113] {strides = array<i32>} : memref<512xf32, #tpu.memory_space<vmem>>, vector<16xf32>,
          %add3A_115 = arith.constant 16 : i32
          %add3A_116 = arith.addi %mul3A_112, %add3A_115 : i32
          %get3A_117 = arith.index_cast %add3A_116 : i32 to index
          %get3A_118 = tpu.vector_load %arg8[%get3A_117] {strides = array<i32>} : memref<512xf32, #tpu.memory_space<vmem>>, vector<16xf32>,
          %sub3A_119 = vector.broadcast %add3A_99 : f32 to vector<16xf32>
          %sub3A_120 = arith.subf %sub3A_119, %get3A_114 : vector<16xf32>
          %max3A = arith.constant 0.000000e+00 : f32
          %max3A_121 = vector.broadcast %max3A : f32 to vector<16xf32>
          %max3A_122 = arith.maximumf %sub3A_120, %max3A_121 : vector<16xf32>
          %add3A_123 = arith.addf %scan3A_107, %max3A_122 : vector<16xf32>
          %sub3A_124 = vector.broadcast %add3A_99 : f32 to vector<16xf32>
          %sub3A_125 = arith.subf %sub3A_124, %get3A_118 : vector<16xf32>
          %max3A_126 = arith.constant 0.000000e+00 : f32
          %max3A_127 = vector.broadcast %max3A_126 : f32 to vector<16xf32>
          %max3A_128 = arith.maximumf %sub3A_125, %max3A_127 : vector<16xf32>
          %add3A_129 = arith.addf %scan3A_108, %max3A_128 : vector<16xf32>
          %scan3A_130 = arith.constant 1 : i32
          %scan3A_131 = arith.addi %scan3A_106, %scan3A_130 : i32
          %mul3A_132 = arith.constant 2 : i32
          %mul3A_133 = arith.muli %scan3A_131, %mul3A_132 : i32
          %mul3A_134 = arith.constant 16 : i32
          %mul3A_135 = arith.muli %mul3A_133, %mul3A_134 : i32
          %get3A_136 = arith.index_cast %mul3A_135 : i32 to index
          %get3A_137 = tpu.vector_load %arg8[%get3A_136] {strides = array<i32>} : memref<512xf32, #tpu.memory_space<vmem>>, vector<16xf32>,
          %add3A_138 = arith.constant 16 : i32
          %add3A_139 = arith.addi %mul3A_135, %add3A_138 : i32
          %get3A_140 = arith.index_cast %add3A_139 : i32 to index
          %get3A_141 = tpu.vector_load %arg8[%get3A_140] {strides = array<i32>} : memref<512xf32, #tpu.memory_space<vmem>>, vector<16xf32>,
          %sub3A_142 = vector.broadcast %add3A_99 : f32 to vector<16xf32>
          %sub3A_143 = arith.subf %sub3A_142, %get3A_137 : vector<16xf32>
          %max3A_144 = arith.constant 0.000000e+00 : f32
          %max3A_145 = vector.broadcast %max3A_144 : f32 to vector<16xf32>
          %max3A_146 = arith.maximumf %sub3A_143, %max3A_145 : vector<16xf32>
          %add3A_147 = arith.addf %add3A_123, %max3A_146 : vector<16xf32>
          %sub3A_148 = vector.broadcast %add3A_99 : f32 to vector<16xf32>
          %sub3A_149 = arith.subf %sub3A_148, %get3A_141 : vector<16xf32>
          %max3A_150 = arith.constant 0.000000e+00 : f32
          %max3A_151 = vector.broadcast %max3A_150 : f32 to vector<16xf32>
          %max3A_152 = arith.maximumf %sub3A_149, %max3A_151 : vector<16xf32>
          %add3A_153 = arith.addf %add3A_129, %max3A_152 : vector<16xf32>
          %scan3A_154 = arith.constant 2 : i32
          %scan3A_155 = arith.addi %scan3A_106, %scan3A_154 : i32
          %mul3A_156 = arith.constant 2 : i32
          %mul3A_157 = arith.muli %scan3A_155, %mul3A_156 : i32
          %mul3A_158 = arith.constant 16 : i32
          %mul3A_159 = arith.muli %mul3A_157, %mul3A_158 : i32
          %get3A_160 = arith.index_cast %mul3A_159 : i32 to index
          %get3A_161 = tpu.vector_load %arg8[%get3A_160] {strides = array<i32>} : memref<512xf32, #tpu.memory_space<vmem>>, vector<16xf32>,
          %add3A_162 = arith.constant 16 : i32
          %add3A_163 = arith.addi %mul3A_159, %add3A_162 : i32
          %get3A_164 = arith.index_cast %add3A_163 : i32 to index
          %get3A_165 = tpu.vector_load %arg8[%get3A_164] {strides = array<i32>} : memref<512xf32, #tpu.memory_space<vmem>>, vector<16xf32>,
          %sub3A_166 = vector.broadcast %add3A_99 : f32 to vector<16xf32>
          %sub3A_167 = arith.subf %sub3A_166, %get3A_161 : vector<16xf32>
          %max3A_168 = arith.constant 0.000000e+00 : f32
          %max3A_169 = vector.broadcast %max3A_168 : f32 to vector<16xf32>
          %max3A_170 = arith.maximumf %sub3A_167, %max3A_169 : vector<16xf32>
          %add3A_171 = arith.addf %add3A_147, %max3A_170 : vector<16xf32>
          %sub3A_172 = vector.broadcast %add3A_99 : f32 to vector<16xf32>
          %sub3A_173 = arith.subf %sub3A_172, %get3A_165 : vector<16xf32>
          %max3A_174 = arith.constant 0.000000e+00 : f32
          %max3A_175 = vector.broadcast %max3A_174 : f32 to vector<16xf32>
          %max3A_176 = arith.maximumf %sub3A_173, %max3A_175 : vector<16xf32>
          %add3A_177 = arith.addf %add3A_153, %max3A_176 : vector<16xf32>
          %scan3A_178 = arith.constant 3 : i32
          %scan3A_179 = arith.addi %scan3A_106, %scan3A_178 : i32
          %mul3A_180 = arith.constant 2 : i32
          %mul3A_181 = arith.muli %scan3A_179, %mul3A_180 : i32
          %mul3A_182 = arith.constant 16 : i32
          %mul3A_183 = arith.muli %mul3A_181, %mul3A_182 : i32
          %get3A_184 = arith.index_cast %mul3A_183 : i32 to index
          %get3A_185 = tpu.vector_load %arg8[%get3A_184] {strides = array<i32>} : memref<512xf32, #tpu.memory_space<vmem>>, vector<16xf32>,
          %add3A_186 = arith.constant 16 : i32
          %add3A_187 = arith.addi %mul3A_183, %add3A_186 : i32
          %get3A_188 = arith.index_cast %add3A_187 : i32 to index
          %get3A_189 = tpu.vector_load %arg8[%get3A_188] {strides = array<i32>} : memref<512xf32, #tpu.memory_space<vmem>>, vector<16xf32>,
          %sub3A_190 = vector.broadcast %add3A_99 : f32 to vector<16xf32>
          %sub3A_191 = arith.subf %sub3A_190, %get3A_185 : vector<16xf32>
          %max3A_192 = arith.constant 0.000000e+00 : f32
          %max3A_193 = vector.broadcast %max3A_192 : f32 to vector<16xf32>
          %max3A_194 = arith.maximumf %sub3A_191, %max3A_193 : vector<16xf32>
          %add3A_195 = arith.addf %add3A_171, %max3A_194 : vector<16xf32>
          %sub3A_196 = vector.broadcast %add3A_99 : f32 to vector<16xf32>
          %sub3A_197 = arith.subf %sub3A_196, %get3A_189 : vector<16xf32>
          %max3A_198 = arith.constant 0.000000e+00 : f32
          %max3A_199 = vector.broadcast %max3A_198 : f32 to vector<16xf32>
          %max3A_200 = arith.maximumf %sub3A_197, %max3A_199 : vector<16xf32>
          %add3A_201 = arith.addf %add3A_177, %max3A_200 : vector<16xf32>
          scf.yield %add3A_195, %add3A_201 : vector<16xf32>, vector<16xf32>
        }
        %scan3A_105 = arith.constant 16 : i32
        scf.yield %scan3A_104#0, %scan3A_104#1 : vector<16xf32>, vector<16xf32>
      }
      scf.yield %while3A_90#0, %while3A_90#1, %add3A_80 : vector<16xf32>, vector<16xf32>, i32
    }
    %scan3A_49 = arith.constant 8 : i32
    %add3A_50 = arith.addf %scan3A_48#0, %scan3A_48#1 : vector<16xf32>
    %swap3A = arith.constant 0 : index
    %swap3A_51 = tpu.vector_load %arg10[%swap3A] {strides = array<i32>} : memref<16xf32, #tpu.memory_space<vmem>>, vector<16xf32>,
    tpu.vector_store %arg10[%swap3A], %add3A_50 {strides = array<i32>} : memref<16xf32, #tpu.memory_space<vmem>>, vector<16xf32>,
    %eq3A = arith.constant 0 : i32
    %eq3A_52 = vector.broadcast %eq3A : i32 to vector<16xi32>
    %eq3A_53 = arith.cmpi eq, %iota3A, %eq3A_52 : vector<16xi32>
    %jit3A = arith.constant 0 : i32
    %broadcast_in_dim3A_54 = vector.broadcast %scan3A_48#2 : i32 to vector<16xi32>
    %broadcast_in_dim3A_55 = vector.broadcast %jit3A : i32 to vector<16xi32>
    %select_n3A = arith.select %eq3A_53, %broadcast_in_dim3A_54, %broadcast_in_dim3A_55 : vector<16xi1>, vector<16xi32>
    %swap3A_56 = arith.constant 0 : index
    %swap3A_57 = tpu.vector_load %arg11[%swap3A_56] {strides = array<i32>} : memref<16xi32, #tpu.memory_space<vmem>>, vector<16xi32>,
    tpu.vector_store %arg11[%swap3A_56], %select_n3A {strides = array<i32>} : memref<16xi32, #tpu.memory_space<vmem>>, vector<16xi32>,
    "tpu.region"() ({
      %run_scoped3A = tpu.sem_alloc : memref<!tpu.dma_semaphore, #tpu.memory_space<semaphore_mem>>
      %dma_start3A_58 = arith.constant 0 : i32
      %dma_start3A_59 = tpu.memref_slice %arg4[%add3A, %dma_start3A_58] : memref<32x16xf32, #tpu.memory_space<hbm>> -> memref<1x16xf32, #tpu.memory_space<hbm>>
      %dma_start3A_60 = tpu.memref_squeeze %dma_start3A_59 : memref<1x16xf32, #tpu.memory_space<hbm>> -> memref<16xf32, #tpu.memory_space<hbm>>
      %dma_start3A_61 = arith.constant 0 : i32
      %dma_start3A_62 = tpu.memref_slice %arg4[%add3A, %dma_start3A_61] : memref<32x16xf32, #tpu.memory_space<hbm>> -> memref<1x16xf32, #tpu.memory_space<hbm>>
      %dma_start3A_63 = tpu.memref_squeeze %dma_start3A_62 : memref<1x16xf32, #tpu.memory_space<hbm>> -> memref<16xf32, #tpu.memory_space<hbm>>
      tpu.enqueue_dma source(%arg10 : memref<16xf32, #tpu.memory_space<vmem>>) target(%dma_start3A_63 : memref<16xf32, #tpu.memory_space<hbm>>) target_semaphore(%run_scoped3A : memref<!tpu.dma_semaphore, #tpu.memory_space<semaphore_mem>>)
      %dma_wait3A_64 = arith.constant 0 : i32
      %dma_wait3A_65 = tpu.memref_slice %arg4[%add3A, %dma_wait3A_64] : memref<32x16xf32, #tpu.memory_space<hbm>> -> memref<1x16xf32, #tpu.memory_space<hbm>>
      %dma_wait3A_66 = tpu.memref_squeeze %dma_wait3A_65 : memref<1x16xf32, #tpu.memory_space<hbm>> -> memref<16xf32, #tpu.memory_space<hbm>>
      %dma_wait3A_67 = arith.constant 0 : i32
      %dma_wait3A_68 = tpu.memref_slice %arg4[%add3A, %dma_wait3A_67] : memref<32x16xf32, #tpu.memory_space<hbm>> -> memref<1x16xf32, #tpu.memory_space<hbm>>
      %dma_wait3A_69 = tpu.memref_squeeze %dma_wait3A_68 : memref<1x16xf32, #tpu.memory_space<hbm>> -> memref<16xf32, #tpu.memory_space<hbm>>
      tpu.wait_dma2 semaphore(%run_scoped3A : memref<!tpu.dma_semaphore, #tpu.memory_space<semaphore_mem>>) src(%arg10 : memref<16xf32, #tpu.memory_space<vmem>>) dst(%dma_wait3A_69 : memref<16xf32, #tpu.memory_space<hbm>>)
      tpu.yield
    }) : () -> ()
    "tpu.region"() ({
      %run_scoped3A = tpu.sem_alloc : memref<!tpu.dma_semaphore, #tpu.memory_space<semaphore_mem>>
      %dma_start3A_58 = arith.constant 0 : i32
      %dma_start3A_59 = tpu.memref_slice %arg5[%add3A, %dma_start3A_58] : memref<32x16xi32, #tpu.memory_space<hbm>> -> memref<1x16xi32, #tpu.memory_space<hbm>>
      %dma_start3A_60 = tpu.memref_squeeze %dma_start3A_59 : memref<1x16xi32, #tpu.memory_space<hbm>> -> memref<16xi32, #tpu.memory_space<hbm>>
      %dma_start3A_61 = arith.constant 0 : i32
      %dma_start3A_62 = tpu.memref_slice %arg5[%add3A, %dma_start3A_61] : memref<32x16xi32, #tpu.memory_space<hbm>> -> memref<1x16xi32, #tpu.memory_space<hbm>>
      %dma_start3A_63 = tpu.memref_squeeze %dma_start3A_62 : memref<1x16xi32, #tpu.memory_space<hbm>> -> memref<16xi32, #tpu.memory_space<hbm>>
      tpu.enqueue_dma source(%arg11 : memref<16xi32, #tpu.memory_space<vmem>>) target(%dma_start3A_63 : memref<16xi32, #tpu.memory_space<hbm>>) target_semaphore(%run_scoped3A : memref<!tpu.dma_semaphore, #tpu.memory_space<semaphore_mem>>)
      %dma_wait3A_64 = arith.constant 0 : i32
      %dma_wait3A_65 = tpu.memref_slice %arg5[%add3A, %dma_wait3A_64] : memref<32x16xi32, #tpu.memory_space<hbm>> -> memref<1x16xi32, #tpu.memory_space<hbm>>
      %dma_wait3A_66 = tpu.memref_squeeze %dma_wait3A_65 : memref<1x16xi32, #tpu.memory_space<hbm>> -> memref<16xi32, #tpu.memory_space<hbm>>
      %dma_wait3A_67 = arith.constant 0 : i32
      %dma_wait3A_68 = tpu.memref_slice %arg5[%add3A, %dma_wait3A_67] : memref<32x16xi32, #tpu.memory_space<hbm>> -> memref<1x16xi32, #tpu.memory_space<hbm>>
      %dma_wait3A_69 = tpu.memref_squeeze %dma_wait3A_68 : memref<1x16xi32, #tpu.memory_space<hbm>> -> memref<16xi32, #tpu.memory_space<hbm>>
      tpu.wait_dma2 semaphore(%run_scoped3A : memref<!tpu.dma_semaphore, #tpu.memory_space<semaphore_mem>>) src(%arg11 : memref<16xi32, #tpu.memory_space<vmem>>) dst(%dma_wait3A_69 : memref<16xi32, #tpu.memory_space<hbm>>)
      tpu.yield
    }) : () -> ()
    return
  }
}

module attributes {stable_mosaic.version = 14 : i64} {
  func.func @_pairdist_body(%arg0: memref<512x128xf32, #tpu.memory_space<vmem>>, %arg1: memref<512x512xf32, #tpu.memory_space<vmem>>) attributes {dimension_semantics = [], scalar_prefetch = 0 : i64, scratch_operands = 0 : i64, tpu.core_type = #tpu.core_type<tc>} {
    %get3A = arith.constant 0 : index
    %get3A_0 = arith.constant 0 : index
    %get3A_1 = vector.load %arg0[%get3A, %get3A_0] : memref<512x128xf32, #tpu.memory_space<vmem>>, vector<512x128xf32>
    %mul3A = arith.mulf %get3A_1, %get3A_1 : vector<512x128xf32>
    %reduce_sum3A = arith.constant dense<0.000000e+00> : vector<512xf32>
    %reduce_sum3A_2 = vector.multi_reduction <add>, %mul3A, %reduce_sum3A [1] : vector<512x128xf32> to vector<512xf32>
    %dot_general3A = arith.constant dense<0.000000e+00> : vector<512x512xf32>
    %dot_general3A_3 = tpu.matmul %get3A_1, %get3A_1, %dot_general3A {dimension_numbers = #tpu.dot_dimension_numbers<[1], [1], [0], [0], [0, 0, 1, 0], [], []>, transpose_lhs_hint = false} : vector<512x128xf32>, vector<512x128xf32>, vector<512x512xf32> -> vector<512x512xf32>
    %broadcast_in_dim3A = vector.shape_cast %reduce_sum3A_2 : vector<512xf32> to vector<512x1xf32>
    %broadcast_in_dim3A_4 = vector.shape_cast %reduce_sum3A_2 : vector<512xf32> to vector<1x512xf32>
    %add3A = vector.broadcast %broadcast_in_dim3A : vector<512x1xf32> to vector<512x512xf32>
    %add3A_5 = vector.broadcast %broadcast_in_dim3A_4 : vector<1x512xf32> to vector<512x512xf32>
    %add3A_6 = arith.addf %add3A, %add3A_5 : vector<512x512xf32>
    %mul3A_7 = arith.constant 2.000000e+00 : f32
    %mul3A_8 = vector.broadcast %mul3A_7 : f32 to vector<512x512xf32>
    %mul3A_9 = arith.mulf %mul3A_8, %dot_general3A_3 : vector<512x512xf32>
    %sub3A = arith.subf %add3A_6, %mul3A_9 : vector<512x512xf32>
    %swap3A = arith.constant 0 : index
    %swap3A_10 = arith.constant 0 : index
    %swap3A_11 = vector.load %arg1[%swap3A, %swap3A_10] : memref<512x512xf32, #tpu.memory_space<vmem>>, vector<512x512xf32>
    tpu.vector_store %arg1[%swap3A, %swap3A_10], %sub3A {strides = array<i32>} : memref<512x512xf32, #tpu.memory_space<vmem>>, vector<512x512xf32>,
    return
  }
}

</mosaic_0001>

<sc_bundles>
// kernel: kernel.4.cloned.1.call-start
scs
__scs_entry_jumppad:
0x0: {  	(pc) =	sbr.rel $0x88, $3  }
0x1: {  	(tag) =	ssettag $0x0;
	lr =	simm.s32 $0x1  }
0x2: {  	[smem:$0x3F9F] =	sst lr;
	_ =	strace $0xD0000000  }
0x3: {  	_ = 	snop  }
0x4: {  	_ = 	snop  }
0x5: {  	_ = 	snop  }
0x6: {  	_ = 	snop  }
0x7: {  	_ = 	snop  }
__scs_overlays_trampoline_lowered:
0x8: {  	[smem:$0x3FAE] =	sst s0  }
0x9: {  	[smem:$0x3FAF] =	sst s1  }
0xa: {  	[smem:$0x3FB0] =	sst s2  }
0xb: {  	[smem:$0x3FB1] =	sst s3  }
0xc: {  	[smem:$0x3FB2] =	sst s4  }
0xd: {  	[smem:$0x3FB3] =	sst s5  }
0xe: {  	[smem:$0x3FB4] =	sst s6  }
0xf: {  	[smem:$0x3FB5] =	sst s7  }
0x10: {  	[smem:$0x3FB6] =	sst s8  }
0x11: {  	[smem:$0x3FB7] =	sst s9;
	s0 =	simm.s32 @!p0 $0x0  }
0x12: {  	s1 =	sld [smem:$0x3F9D];
	s0 =	simm.s32 @p0 $0x1  }
0x13: {  	[smem:$0x3FB8] =	sst s0;
	s0 =	simm.s32 @!p1 $0x0  }
0x14: {  	s2 =	sld [smem:$0x3F9C];
	s0 =	simm.s32 @p1 $0x1  }
0x15: {  	[smem:$0x3FB9] =	sst s0;
	s0 =	simm.s32 @!p2 $0x0  }
0x16: {  	s3 =	sld [smem:$0x3FDB];
	s0 =	simm.s32 @p2 $0x1  }
0x17: {  	s4 =	simm.s32 $0x1BF5;
	[smem:$0x3FBB] =	sst s0  }
0x18: {  	s0 =	sld [smem:$0x3F9E];
	_ =	swait.ge [sflag:s4], $0x0  }
0x19: {  	s7 =	sld [smem:$0x3F9F]  }
0x1a: {  	s8 =	sadd.s32 $0xFFFFE003, lr  }
0x1b: {  	s9 =	sadd.s32 $0xFFFFFEF7, lr;
	s5 =	simm.s32 $0xFFFFFFFF;
	p2 =	slt.u32 s8, $0xFFFFF086  }
0x1c: {  	p1 =	slt.u32 s9, $0xF7A;
	s5 =	simm.s32 @!p2 $0x0  }
0x1d: {  	s5 =	simm.s32 @p1 $0x1;
	p0 =	seq.s32 s7, s2  }
0x1e: {  	s7 =	smul.u32 @!p0 $0xF7A, s2;
	p2 =	seq.s32 @!p0 s5, $0x0  }
0x1f: {  	s9 =	smul.u32 $0xF7A, s1;
	s8 =	simm.s32 @!p0 $0x1BF5;
	p2 =	por !p2, p0  }
0x20: {  	[sflag:s8] =	ssyncset.s32 @!p0 $0xFFFFF086;
	s6 =	sadd.s32 @!p0 s3, s7;
	s7 =	simm.s32 @!p0 $0x108  }
0x21: {  	s3 =	sadd.s32 s3, s9;
	s6 =	sadd.s32 @!p0 $0x88, s6;
	s7 =	simm.s32 @p2 $0x1082  }
0x22: {  	[simem:s7], [sflag:s8] =	dma.local @!p0 [hbm:s6], $0xF7A  }
0x23: {  	s9 =	sor.u32 $0xD0000000, s2;
	s6 =	simm.s32 $0x108;
	_ =	swait.ge @!p0 [sflag:s8], $0x0  }
0x24: {  	s3 =	sadd.s32 $0x88, s3;
	s6 =	simm.s32 @!p1 $0x1082;
	[sflag:s4] =	ssyncset.s32 $0xFFFFF086  }
0x25: {  	[simem:s6], [sflag:s4] =	dma.local [hbm:s3], $0xF7A  }
0x26: {  	[smem:$0x3F9F] =	sst s1;
	(tag) =	ssettag s2;
	_ =	strace s9  }
0x27: {  	s1 =	sld [smem:$0x3FAF]  }
0x28: {  	s2 =	sld [smem:$0x3FB0]  }
0x29: {  	s4 =	sld [smem:$0x3FB2]  }
0x2a: {  	p0 =	seq.s32 s5, $0x0;
	s5 =	sld [smem:$0x3FB3]  }
0x2b: {  	s6 =	sld [smem:$0x3FB4]  }
0x2c: {  	s7 =	sld [smem:$0x3FB5]  }
0x2d: {  	s3 =	simm.s32 $0x108;
	s8 =	sld [smem:$0x3FB6]  }
0x2e: {  	s3 =	simm.s32 @!p0 $0x1082;
	s9 =	sld [smem:$0x3FB7]  }
0x2f: {  	lr =	sadd.s32 s0, s3;
	s0 =	sld [smem:$0x3FAE]  }
0x30: {  	s3 =	sld [smem:$0x3FB1]  }
0x31: {  	[smem:$0x3FBA] =	sst s10  }
0x32: {  	s10 =	sld [smem:$0x3FB8];
	_ =	sdelay $0x3  }
0x33: {  	p0 =	seq.s32 s10, $0x1;
	s10 =	sld [smem:$0x3FBA];
	_ =	sdelay $0x3  }
0x34: {  	[smem:$0x3FBA] =	sst s10  }
0x35: {  	s10 =	sld [smem:$0x3FB9];
	_ =	sdelay $0x3  }
0x36: {  	p1 =	seq.s32 s10, $0x1;
	s10 =	sld [smem:$0x3FBA];
	_ =	sdelay $0x3  }
0x37: {  	[smem:$0x3FBA] =	sst s10  }
0x38: {  	s10 =	sld [smem:$0x3FBB]  }
0x39: {  	_ = 	snop;
	(pc) =	sbr.ind lr, $3  }
0x3a: {  	_ = 	snop  }
0x3b: {  	_ = 	snop  }
0x3c: {  	p2 =	seq.s32 s10, $0x1;
	s10 =	sld [smem:$0x3FBA]  }
0x3d: {  	_ =	shalt  }
0x3e: {  	_ =	shalt  }
0x3f: {  	_ =	shalt  }
0x40: {  	_ =	shalt  }
0x41: {  	_ =	shalt  }
0x42: {  	_ =	shalt  }
0x43: {  	_ =	shalt  }
0x44: {  	_ =	shalt  }
0x45: {  	_ =	shalt  }
0x46: {  	_ =	shalt  }
0x47: {  	_ =	shalt  }
0x48: {  	_ =	shalt  }
0x49: {  	_ =	shalt  }
0x4a: {  	_ =	shalt  }
0x4b: {  	_ =	shalt  }
0x4c: {  	_ =	shalt  }
0x4d: {  	_ =	shalt  }
0x4e: {  	_ =	shalt  }
0x4f: {  	_ =	shalt  }
0x50: {  	_ =	shalt  }
0x51: {  	_ =	shalt  }
0x52: {  	_ =	shalt  }
0x53: {  	_ =	shalt  }
0x54: {  	_ =	shalt  }
0x55: {  	_ =	shalt  }
0x56: {  	_ =	shalt  }
0x57: {  	_ =	shalt  }
0x58: {  	_ =	shalt  }
0x59: {  	_ =	shalt  }
0x5a: {  	_ =	shalt  }
0x5b: {  	_ =	shalt  }
0x5c: {  	_ =	shalt  }
0x5d: {  	_ =	shalt  }
0x5e: {  	_ =	shalt  }
0x5f: {  	_ =	shalt  }
0x60: {  	_ =	shalt  }
0x61: {  	_ =	shalt  }
0x62: {  	_ =	shalt  }
0x63: {  	_ =	shalt  }
0x64: {  	_ =	shalt  }
0x65: {  	_ =	shalt  }
0x66: {  	_ =	shalt  }
0x67: {  	_ =	shalt  }
0x68: {  	_ =	shalt  }
0x69: {  	_ =	shalt  }
0x6a: {  	_ =	shalt  }
0x6b: {  	_ =	shalt  }
0x6c: {  	_ =	shalt  }
0x6d: {  	_ =	shalt  }
0x6e: {  	_ =	shalt  }
0x6f: {  	_ =	shalt  }
0x70: {  	_ =	shalt  }
0x71: {  	_ =	shalt  }
0x72: {  	_ =	shalt  }
0x73: {  	_ =	shalt  }
0x74: {  	_ =	shalt  }
0x75: {  	_ =	shalt  }
0x76: {  	_ =	shalt  }
0x77: {  	_ =	shalt  }
0x78: {  	_ =	shalt  }
0x79: {  	_ =	shalt  }
0x7a: {  	_ =	shalt  }
0x7b: {  	_ =	shalt  }
0x7c: {  	_ =	shalt  }
0x7d: {  	_ =	shalt  }
0x7e: {  	_ =	shalt  }
0x7f: {  	_ =	shalt  }
0x80: {  	_ =	shalt  }
0x81: {  	_ =	shalt  }
0x82: {  	_ =	shalt  }
0x83: {  	_ =	shalt  }
0x84: {  	_ =	shalt  }
0x85: {  	_ =	shalt  }
0x86: {  	_ =	shalt  }
0x87: {  	_ =	shalt  }
.Lfunc_end0:
.L_simem_size_0:
called_computation_lowered:
.L_overlay_start_0:
0x88: {  	s2 =	sld [smem:$0x3FD9]  }
0x89: {  	s3 =	sld [smem:$0x3FFE];
	_ =	sdelay $0x1  }
0x8a: {  	s1 =	srdreg.scid  }
0x8b: {  	s0 =	sand.u32 $0x1, s1  }
0x8c: {  	s17 =	sshll.u32 s0, $0xA;
	s2 =	sadd.s32 s3, s2  }
0x8d: {  	s2 =	sadd.s32 s2, s17  }
0x8e: {  	[smem:$0x3FC6] =	sst s2  }
0x8f: {  	_ = 	snop  }
0x90: {  	s2 =	sld [smem:$0x3FC8];
	(tm) =	ssettm $0x1  }
0x91: {  	s18 =	sld [smem:$0x3FFB];
	_ =	sdelay $0x3  }
0x92: {  	_ =	strace s18  }
0x93: {  	s3 =	sld [smem:$0x3FFC];
	_ =	sdelay $0x3  }
0x94: {  	_ =	strace s3  }
0x95: {  	s3 =	sld [smem:$0x3FFD];
	_ =	sdelay $0x3  }
0x96: {  	_ =	strace s3  }
0x97: {  	_ =	strace $0x8FFFFFFF  }
0x98: {  	s19 =	sld [smem:$0x3FDB];
	_ =	sdelay $0x1  }
0x99: {  	s4 =	simm.s32 $_scs_section_size  }
0x9a: {  	s5 =	simm.s32 $_size__tile_overlayer_lowered;
	s6 =	simm.s32 $_tile_overlayer_lowered  }
0x9b: {  	s22 =	simm.s32 $0x1BFF;
	s21 =	sshll.u32 s6, $0x1;
	s3 =	sadd.s32 s4, s19  }
0x9c: {  	s7 =	simm.s32 $0x0;
	s20 =	sshll.u32 s5, $0x1;
	s5 =	sadd.s32 s21, s3  }
0x9d: {  	[timem:s7], [sflag:s22] =	dma.local [hbm:s5], s20  }
0x9e: {  	_ =	swait.ge [sflag:s22], s20  }
0x9f: {  	s4 =	ssub.s32 $0x0, s20;
	[sflag:s22] =	ssyncset.done $0x0  }
0xa0: {  	[sflag:s22] =	ssyncadd.s32 s4;
	_ =	sdelay $0x1  }
0xa1: {  	s23 =	simm.s32 $0x1B8B  }
0xa2: {  	_ =	swait.ge [sflag:s23], $0x1  }
0xa3: {  	[sflag:s23] =	ssyncset.done $0x0  }
0xa4: {  	s25 =	simm.s32 $0x1B8E;
	s24 =	sld [smem:$0x3FFE];
	[sflag:s23] =	ssyncadd.s32 $0xFFFFFFFF  }
0xa5: {  	s26 =	simm.s32 $execute0_lowered;
	[smem:$0x3FD2] =	sst s25  }
0xa6: {  	s5 =	sshll.u32 s26, $0x1;
	_ =	strace $0x80000046;
	[dreg:$0x1] =	wrdreg $0xFFFFFFFF  }
0xa7: {  	s28 =	simm.s32 $_size_execute0_lowered;
	s3 =	sadd.s32 s3, s5;
	[dreg:$0x0] =	wrdreg $0x0  }
0xa8: {  	s5 =	sshll.u32 s28, $0x1;
	[dreg:$0x2] =	wrdreg s3  }
0xa9: {  	[dreg:$0x3] =	wrdreg s5  }
0xaa: {  	[dreg:$0x4] =	wrdreg $0xC0  }
0xab: {  	_ =	task [dreg:s7], $0x5FFFF  }
0xac: {  	[dreg:$0x1] =	wrdreg $0xFFFFFFFF  }
0xad: {  	[dreg:$0x0] =	wrdreg $0x60  }
0xae: {  	[dreg:$0x2] =	wrdreg s24  }
0xaf: {  	[dreg:$0x3] =	wrdreg s2  }
0xb0: {  	[dreg:$0x4] =	wrdreg $0x9  }
0xb1: {  	_ =	task.clear_ibuf [dreg:s7], $0x5FFFF;
	_ =	strace $0x90000046  }
0xb2: {  	s29 =	simm.s32 $0x9;
	_ =	strace $0x80000048  }
0xb3: {  	_ =	swait.ge [sflag:s29], $0x1  }
0xb4: {  	[sflag:s29] =	ssyncadd.s32 $0xFFFFFFFF  }
0xb5: {  	_ =	strace $0x90000048  }
0xb6: {  	_ =	sfence  }
0xb7: {  	s30 =	sld [smem:$0x0];
	_ =	sdelay $0x2  }
0xb8: {  	s31 =	sshll.u32 s1, $0xD;
	s1 =	sshrl.u32 s1, $0x2  }
0xb9: {  	s3 =	sand.u32 $0x4000, s31;
	s1 =	sadd.s32 s1, s30  }
0xba: {  	s0 =	sor.u32 s3, s0;
	s1 =	sshll.u32 s1, $0x11  }
0xbb: {  	s0 =	sor.u32 s1, s0  }
0xbc: {  	s0 =	sadd.s32 $0x8F2B, s0  }
0xbd: {  	[sflag:s0] =	ssyncadd.remote.s32 $0x1  }
0xbe: {  	_ =	sfence.sel $0xFFFF  }
0xbf: {  	[dreg:$0x0] =	wrdreg $0xFFFFFFFF;
	(pc) =	sbr.abs _section_cstart, $3  }
0xc0: {  	[dreg:$0x1] =	wrdreg $0xFFFFFFFF  }
0xc1: {  	_ =	task.clear_ibuf [dreg:s7], $0x2FFFF;
	_ =	strace $0x9FFFFFFF  }
0xc2: {  	(tm) =	ssettm $0x7FFFFFFF  }
0xc3: {  	_ =	shalt  }
tec
execute0_lowered:
.L_overlay_start_1:
0x0: {  	(tag) =	ssettag $0x1  }
0x1: {  	s0 =	srdreg.scid;
	s5 =	rddreg [dreg:$0x0]  }
0x2: {  	s2 =	rddreg [dreg:$0x1];
	s1 =	stileid.u32  }
0x3: {  	s3 =	simm.s32 $0x0;
	s10 =	simm.s32 $0x280;
	s11 =	simm.s32 $0x1280  }
0x4: {  	s12 =	simm.s32 $0x1;
	s13 =	simm.s32 $0x2;
	s14 =	simm.s32 $0x3  }
0x5: {  	s15 =	simm.s32 $0x2700;
	s16 =	simm.s32 $0x4;
	s17 =	simm.s32 $0x2780  }
0x6: {  	s18 =	simm.s32 $0x0;
	s6 =	sand.u32 $0x1, s0;
	s0 =	rddreg [dreg:$0x2]  }
0x7: {  	[smem:$0x7FF] =	sst s3;
	s8 =	sshll.u32 s1, $0x4;
	s4 =	sshll.u32 s6, $0x4  }
0x8: {  	_ =	strace $0x80000047;
	s8 =	sand.u32 $0x70, s8;
	s7 =	sor.u32 s1, s4  }
.Ltmp0:
0x9: {  	s6 =	ssub.s32 $0x2, s6;
	s4 =	sshll.u32 s7, $0x4;
	(pc) =	sbr.rel .LBB2_1-.Ltmp0, $4  }
0xa: {  	s30 =	sshrl.u32 s6, $0x1;
	s7 =	sshll.u32 s7, $0xA;
	s9 =	sand.u32 $0x180, s4  }
0xb: {  	s31 =	ssub.s32 s6, s30;
	s7 =	sadd.s32 s7, s5;
	s8 =	sor.u32 s8, s9  }
0xc: {  	s6 =	sadd.s32 $0x400, s7;
	s9 =	smax.u32 s31, $0x1;
	s8 =	sadd.s32 s8, s5  }
0xd: {  	v0 =	vlaneseq.u32;
	vm0 =	vcmask $0x300;
	s5 =	sadd.s32 $0x200, s7;
	s7 =	sadd.s32 $0x8400, s8;
	s8 =	sadd.s32 $0x8200, s8  }
.LBB2_17:
0xe: {  	v1 =	vadd.f32 v1, v2  }
0xf: {  	v2 =	vmov s19  }
0x10: {  	[tilespmem:$0x2700] =	vst v1;
	v1 =	vnsel vm0, $0x0, v2  }
0x11: {  	[tilespmem:$0x2780] =	vst v1  }
0x12: {  	[hbm4b:s7+s3] =	stream.linear.scatter [tilespmem:s15], [sflag:$0x4], $0x80, $0x38;
	[tilespmem:$0x2800] =	vst v63  }
0x13: {  	s18 =	sadd.s32 $0x1, s18;
	_ =	swait.ge [sflag:s16], $0x80  }
0x14: {  	p0 =	sne.s32 s18, s9;
	[sflag:s16] =	ssyncset.done $0x0  }
.Ltmp1:
0x15: {  	[sflag:s16] =	ssyncadd.s32 $0xFFFFFF80;
	(pc) =	sbr.rel @!p0 .LBB2_18-.Ltmp1, $4  }
0x16: {  	[hbm4b:s8+s3] =	stream.linear.scatter [tilespmem:s17], [sflag:$0x4], $0x80, $0x38;
	[tilespmem:$0x2800] =	vst v63  }
0x17: {  	_ =	swait.ge [sflag:s16], $0x80  }
0x18: {  	[sflag:s16] =	ssyncset.done $0x0  }
0x19: {  	[sflag:s16] =	ssyncadd.s32 $0xFFFFFF80  }
.LBB2_1:
0x1a: {  	[tilespmem:s10], [sflag:$0x1] =	stream.linear.gather [hbm4b:s5+s3], $0x1000, $0x38;
	[tilespmem:$0x2800] =	vst v63  }
0x1b: {  	_ = 	snop  }
0x1c: {  	[tilespmem:s3], [sflag:$0x2] =	stream.linear.gather [hbm4b:s2+s3], $0x200, $0x38;
	[tilespmem:$0x2800] =	vst v63  }
0x1d: {  	_ = 	snop  }
0x1e: {  	[tilespmem:s11], [sflag:$0x3] =	stream.linear.gather [hbm4b:s6+s3], $0x1000, $0x38;
	[tilespmem:$0x2800] =	vst v63  }
0x1f: {  	_ =	swait.ge [sflag:s12], $0x1000  }
.Ltmp2:
0x20: {  	[sflag:s12] =	ssyncset.done $0x0;
	(pc) =	sbr.rel .LBB2_2-.Ltmp2, $4  }
0x21: {  	[sflag:s12] =	ssyncadd.s32 $0xFFFFF000  }
0x22: {  	_ =	swait.ge [sflag:s13], $0x200  }
0x23: {  	s20 =	simm.s32 $0x2C0;
	[sflag:s13] =	ssyncset.done $0x0  }
0x24: {  	v1 =	vimm.f32 $0.0e+00;
	s19 =	simm.s32 $0x0;
	v2 =	vimm.f32 $0.0e+00;
	s21 =	simm.s32 $0x0;
	[sflag:s13] =	ssyncadd.s32 $0xFFFFFE00  }
.LBB2_7:
0x25: {  	v20 =	vsub.f32 s23, v27;
	v21 =	vsub.f32 s23, v28  }
0x26: {  	v54 =	vadd.f32 v33, v36;
	v23 =	vsub.f32 s23, v24  }
0x27: {  	v17 =	vmax.f32 v35, $0.0e+00;
	v22 =	vsub.f32 s23, v22;
	v18 =	vsub.f32 s23, v18  }
0x28: {  	v16 =	vsub.f32 s23, v16;
	v17 =	vadd.f32 v17, v37  }
0x29: {  	v19 =	vmax.f32 v34, $0.0e+00;
	v13 =	vsub.f32 s23, v13;
	v14 =	vsub.f32 s23, v14  }
0x2a: {  	v10 =	vsub.f32 s23, v10;
	v17 =	vadd.f32 v19, v17  }
0x2b: {  	v9 =	vsub.f32 s23, v9;
	v6 =	vsub.f32 s23, v6;
	v20 =	vmax.f32 v20, $0.0e+00  }
0x2c: {  	v4 =	vsub.f32 s23, v4;
	v17 =	vadd.f32 v20, v17  }
0x2d: {  	v3 =	vsub.f32 s23, v3;
	v21 =	vmax.f32 v21, $0.0e+00;
	v55 =	vmax.f32 v23, $0.0e+00  }
0x2e: {  	v19 =	vadd.f32 v21, v54;
	v17 =	vadd.f32 v55, v17  }
0x2f: {  	v2 =	vsub.f32 s23, v2;
	v56 =	vmax.f32 v22, $0.0e+00;
	v18 =	vmax.f32 v18, $0.0e+00  }
0x30: {  	v19 =	vadd.f32 v56, v19;
	v17 =	vadd.f32 v18, v17  }
0x31: {  	v5 =	vsub.f32 s23, v5;
	v16 =	vmax.f32 v16, $0.0e+00;
	v13 =	vmax.f32 v13, $0.0e+00  }
0x32: {  	v16 =	vadd.f32 v16, v19;
	v13 =	vadd.f32 v13, v17  }
0x33: {  	v7 =	vsub.f32 s23, v7;
	v14 =	vmax.f32 v14, $0.0e+00;
	v10 =	vmax.f32 v10, $0.0e+00  }
0x34: {  	v14 =	vadd.f32 v14, v16;
	v10 =	vadd.f32 v10, v13  }
0x35: {  	v58 =	vsub.f32 s23, v8;
	v9 =	vmax.f32 v9, $0.0e+00;
	v6 =	vmax.f32 v6, $0.0e+00  }
0x36: {  	v9 =	vadd.f32 v9, v14;
	v6 =	vadd.f32 v6, v10  }
0x37: {  	v1 =	vsub.f32 s23, v1;
	v4 =	vmax.f32 v4, $0.0e+00;
	v3 =	vmax.f32 v3, $0.0e+00  }
0x38: {  	v4 =	vadd.f32 v4, v9;
	v3 =	vadd.f32 v3, v6  }
0x39: {  	v60 =	vsub.f32 s23, v12;
	v2 =	vmax.f32 v2, $0.0e+00;
	v57 =	vmax.f32 v5, $0.0e+00  }
0x3a: {  	v2 =	vadd.f32 v2, v4;
	v3 =	vadd.f32 v57, v3  }
0x3b: {  	v61 =	vsub.f32 s23, v11;
	v59 =	vmax.f32 v7, $0.0e+00;
	v5 =	vmax.f32 v58, $0.0e+00  }
0x3c: {  	v2 =	vadd.f32 v59, v2;
	v3 =	vadd.f32 v5, v3  }
0x3d: {  	v62 =	vsub.f32 s23, v15;
	v1 =	vmax.f32 v1, $0.0e+00;
	v6 =	vmax.f32 v60, $0.0e+00  }
0x3e: {  	v1 =	vadd.f32 v1, v2;
	v3 =	vadd.f32 v6, v3  }
0x3f: {  	v63 =	vmax.f32 v62, $0.0e+00;
	v2 =	vmax.f32 v61, $0.0e+00  }
0x40: {  	v2 =	vadd.f32 v2, v1;
	v1 =	vadd.f32 v63, v3  }
.LBB2_8:
0x41: {  	s21 =	sadd.s32 $0x1, s21  }
0x42: {  	p0 =	sne.s32 s21, $0x8  }
.Ltmp3:
0x43: {  	_ = 	snop;
	(pc) =	sbr.rel @!p0 .LBB2_9-.Ltmp3, $3  }
0x44: {  	s23 =	ssub.s32 $0x1FF, s22  }
0x45: {  	s22 =	smul.u32 s22, s23;
	_ =	sdelay $0x1  }
0x46: {  	s20 =	sadd.s32 $0x200, s20;
	s19 =	sadd.s32 s19, s22  }
.LBB2_2:
0x47: {  	s23 =	sadd.s32 s4, s21  }
0x48: {  	s22 =	simm.s32 $0x40;
	v5 =	vimm.s32 $0x0;
	v3 =	vld.msk [tilespmem:s23+$0x0 ss:$0x0], $0xffff  }
0x49: {  	v6 =	vld [tilespmem:s22+$0xFFFFFFC0];
	(v2sf) =	vpush v5, $0x0;
	_ =	sdelay $0x2  }
0x4a: {  	s24 =	simm.s32 $0x0  }
0x4b: {  	v4 =	vmov s23;
	v7 =	vor.u32 s24, v0  }
0x4c: {  	vm2 =	vne.s32 v7, v4;
	vm1 =	veq.s32 v6, v3  }
0x4d: {  	vm2 =	vmand vm2, vm1  }
0x4e: {  	v6 =	vmpcnt.ones.xlane vm2;
	_ =	sdelay $0x1  }
0x4f: {  	v5 =	vadd.s32 v5, v6;
	v6 =	vld [tilespmem:s20+$0xFFFFFFC0]  }
0x50: {  	(v2sf) =	vpush v5, $0x0;
	_ =	sdelay $0x3  }
0x51: {  	s24 =	simm.s32 $0x22C0;
	v7 =	vsel vm1, $0x7F61B1E6, v6  }
0x52: {  	[tilespmem:s24+$0xFFFFFFC0] =	vst v7;
	s29 =	spop (v2sf)  }
0x53: {  	[tilespmem:s29+$0x2480] =	vst.msk vm2, v6  }
0x54: {  	v6 =	vld [tilespmem:s22+$0xFFFFFFD0];
	_ =	sdelay $0x1  }
0x55: {  	v7 =	vld [tilespmem:s20+$0xFFFFFFD0]  }
0x56: {  	s30 =	simm.s32 $0x10  }
0x57: {  	v8 =	vor.u32 s30, v0  }
0x58: {  	vm2 =	vne.s32 v8, v4;
	vm1 =	veq.s32 v6, v3  }
0x59: {  	vm2 =	vmand vm2, vm1  }
0x5a: {  	v6 =	vsel vm1, $0x7F61B1E6, v7;
	v8 =	vmpcnt.ones.xlane vm2  }
0x5b: {  	[tilespmem:s24+$0xFFFFFFD0] =	vst v6;
	s31 =	spop (v2sf)  }
0x5c: {  	[tilespmem:s31+$0x2480] =	vst.msk vm2, v7;
	v5 =	vadd.s32 v5, v8  }
0x5d: {  	v6 =	vld [tilespmem:s22+$0xFFFFFFE0];
	(v2sf) =	vpush v5, $0x0;
	_ =	sdelay $0x2  }
0x5e: {  	s25 =	simm.s32 $0x20  }
0x5f: {  	v7 =	vor.u32 s25, v0  }
0x60: {  	vm2 =	vne.s32 v7, v4;
	vm1 =	veq.s32 v6, v3  }
0x61: {  	vm2 =	vmand vm2, vm1  }
0x62: {  	v6 =	vmpcnt.ones.xlane vm2;
	_ =	sdelay $0x1  }
0x63: {  	v5 =	vadd.s32 v5, v6;
	v6 =	vld [tilespmem:s20+$0xFFFFFFE0]  }
0x64: {  	(v2sf) =	vpush v5, $0x0;
	_ =	sdelay $0x3  }
0x65: {  	v7 =	vsel vm1, $0x7F61B1E6, v6  }
0x66: {  	[tilespmem:s24+$0xFFFFFFE0] =	vst v7;
	s26 =	spop (v2sf)  }
0x67: {  	[tilespmem:s26+$0x2480] =	vst.msk vm2, v6  }
0x68: {  	v6 =	vld [tilespmem:s22+$0xFFFFFFF0];
	_ =	sdelay $0x1  }
0x69: {  	v7 =	vld [tilespmem:s20+$0xFFFFFFF0]  }
0x6a: {  	s29 =	simm.s32 $0x30  }
0x6b: {  	v8 =	vor.u32 s29, v0  }
0x6c: {  	vm2 =	vne.s32 v8, v4;
	vm1 =	veq.s32 v6, v3  }
0x6d: {  	vm2 =	vmand vm2, vm1  }
0x6e: {  	v6 =	vsel vm1, $0x7F61B1E6, v7;
	v8 =	vmpcnt.ones.xlane vm2  }
0x6f: {  	[tilespmem:s24+$0xFFFFFFF0] =	vst v6;
	s30 =	spop (v2sf)  }
0x70: {  	[tilespmem:s30+$0x2480] =	vst.msk vm2, v7;
	v5 =	vadd.s32 v5, v8  }
0x71: {  	v6 =	vld [tilespmem:s22+$0x0];
	(v2sf) =	vpush v5, $0x0;
	_ =	sdelay $0x2  }
0x72: {  	s31 =	simm.s32 $0x40  }
0x73: {  	v7 =	vor.u32 s31, v0  }
0x74: {  	vm2 =	vne.s32 v7, v4;
	vm1 =	veq.s32 v6, v3  }
0x75: {  	vm2 =	vmand vm2, vm1  }
0x76: {  	v6 =	vmpcnt.ones.xlane vm2;
	_ =	sdelay $0x1  }
0x77: {  	v5 =	vadd.s32 v5, v6;
	v6 =	vld [tilespmem:s20+$0x0]  }
0x78: {  	(v2sf) =	vpush v5, $0x0;
	_ =	sdelay $0x3  }
0x79: {  	v7 =	vsel vm1, $0x7F61B1E6, v6  }
0x7a: {  	[tilespmem:s24+$0x0] =	vst v7;
	s25 =	spop (v2sf)  }
0x7b: {  	[tilespmem:s25+$0x2480] =	vst.msk vm2, v6  }
0x7c: {  	v6 =	vld [tilespmem:s22+$0x10]  }
0x7d: {  	v7 =	vld [tilespmem:s20+$0x10];
	_ =	sdelay $0x1  }
0x7e: {  	s26 =	simm.s32 $0x50  }
0x7f: {  	v8 =	vor.u32 s26, v0  }
0x80: {  	vm2 =	vne.s32 v8, v4;
	vm1 =	veq.s32 v6, v3  }
0x81: {  	vm2 =	vmand vm2, vm1;
	v6 =	vsel vm1, $0x7F61B1E6, v7  }
0x82: {  	[tilespmem:s24+$0x10] =	vst v6;
	v6 =	vmpcnt.ones.xlane vm2  }
0x83: {  	s29 =	spop (v2sf)  }
0x84: {  	[tilespmem:s29+$0x2480] =	vst.msk vm2, v7;
	v5 =	vadd.s32 v5, v6  }
0x85: {  	v6 =	vld [tilespmem:s22+$0x20];
	(v2sf) =	vpush v5, $0x0;
	_ =	sdelay $0x2  }
0x86: {  	s30 =	simm.s32 $0x60  }
0x87: {  	v7 =	vor.u32 s30, v0  }
0x88: {  	vm2 =	vne.s32 v7, v4;
	vm1 =	veq.s32 v6, v3  }
0x89: {  	vm2 =	vmand vm2, vm1  }
0x8a: {  	v6 =	vmpcnt.ones.xlane vm2;
	_ =	sdelay $0x1  }
0x8b: {  	v5 =	vadd.s32 v5, v6;
	v6 =	vld [tilespmem:s20+$0x20]  }
0x8c: {  	(v2sf) =	vpush v5, $0x0;
	_ =	sdelay $0x3  }
0x8d: {  	v7 =	vsel vm1, $0x7F61B1E6, v6  }
0x8e: {  	[tilespmem:s24+$0x20] =	vst v7;
	s31 =	spop (v2sf)  }
0x8f: {  	[tilespmem:s31+$0x2480] =	vst.msk vm2, v6  }
0x90: {  	v7 =	vld [tilespmem:s22+$0x30]  }
0x91: {  	v6 =	vld [tilespmem:s20+$0x30];
	_ =	sdelay $0x1  }
0x92: {  	s22 =	simm.s32 $0x70  }
0x93: {  	v8 =	vor.u32 s22, v0  }
0x94: {  	vm1 =	vne.s32 v8, v4;
	vm2 =	veq.s32 v7, v3  }
0x95: {  	vm1 =	vmand vm1, vm2;
	v7 =	vsel vm2, $0x7F61B1E6, v6  }
0x96: {  	s23 =	simm.s32 $0x0;
	s26 =	smov.u32 s20;
	[tilespmem:s24+$0x30] =	vst v7;
	v7 =	vmpcnt.ones.xlane vm1  }
0x97: {  	s25 =	simm.s32 $0x2340;
	s24 =	simm.s32 $0xC0;
	s28 =	spop (v2sf)  }
.LBB2_3:
0x98: {  	s23 =	sadd.s32 $0x8, s23;
	[tilespmem:s28+$0x2480] =	vst.msk vm1, v6;
	v5 =	vadd.s32 v5, v7;
	s22 =	sadd.s32 $0x80, s22;
	s26 =	sadd.s32 $0x80, s26  }
0x99: {  	v6 =	vld [tilespmem:s24+$0xFFFFFFC0];
	p0 =	slt.u32 s23, $0x18;
	(v2sf) =	vpush v5, $0x0  }
0x9a: {  	v7 =	vld [tilespmem:s26+$0xFFFFFFC0];
	_ =	sdelay $0x1  }
0x9b: {  	s28 =	sadd.s32 $0xFFFFFF90, s22  }
0x9c: {  	v8 =	vor.u32 s28, v0  }
0x9d: {  	vm2 =	vne.s32 v8, v4;
	vm1 =	veq.s32 v6, v3  }
0x9e: {  	vm2 =	vmand vm2, vm1;
	v6 =	vsel vm1, $0x7F61B1E6, v7  }
0x9f: {  	v8 =	vmpcnt.ones.xlane vm2;
	_ =	sdelay $0x1  }
0xa0: {  	v5 =	vadd.s32 v5, v8  }
0xa1: {  	(v2sf) =	vpush v5, $0x0;
	_ =	sdelay $0x4  }
0xa2: {  	[tilespmem:s25+$0xFFFFFFC0] =	vst v6;
	s28 =	spop (v2sf)  }
0xa3: {  	[tilespmem:s28+$0x2480] =	vst.msk vm2, v7  }
0xa4: {  	v6 =	vld [tilespmem:s24+$0xFFFFFFD0]  }
0xa5: {  	v7 =	vld [tilespmem:s26+$0xFFFFFFD0];
	_ =	sdelay $0x1  }
0xa6: {  	s28 =	sadd.s32 $0xFFFFFFA0, s22  }
0xa7: {  	v8 =	vor.u32 s28, v0  }
0xa8: {  	vm2 =	vne.s32 v8, v4;
	vm1 =	veq.s32 v6, v3  }
0xa9: {  	vm2 =	vmand vm2, vm1;
	v6 =	vsel vm1, $0x7F61B1E6, v7  }
0xaa: {  	v8 =	vmpcnt.ones.xlane vm2  }
0xab: {  	[tilespmem:s25+$0xFFFFFFD0] =	vst v6;
	s28 =	spop (v2sf)  }
0xac: {  	[tilespmem:s28+$0x2480] =	vst.msk vm2, v7;
	v5 =	vadd.s32 v5, v8  }
0xad: {  	v6 =	vld [tilespmem:s24+$0xFFFFFFE0];
	(v2sf) =	vpush v5, $0x0  }
0xae: {  	v7 =	vld [tilespmem:s26+$0xFFFFFFE0];
	_ =	sdelay $0x1  }
0xaf: {  	s28 =	sadd.s32 $0xFFFFFFB0, s22  }
0xb0: {  	v8 =	vor.u32 s28, v0  }
0xb1: {  	vm2 =	vne.s32 v8, v4;
	vm1 =	veq.s32 v6, v3  }
0xb2: {  	vm2 =	vmand vm2, vm1;
	v6 =	vsel vm1, $0x7F61B1E6, v7  }
0xb3: {  	v8 =	vmpcnt.ones.xlane vm2;
	_ =	sdelay $0x1  }
0xb4: {  	v5 =	vadd.s32 v5, v8  }
0xb5: {  	(v2sf) =	vpush v5, $0x0;
	_ =	sdelay $0x4  }
0xb6: {  	[tilespmem:s25+$0xFFFFFFE0] =	vst v6;
	s28 =	spop (v2sf)  }
0xb7: {  	[tilespmem:s28+$0x2480] =	vst.msk vm2, v7  }
0xb8: {  	v6 =	vld [tilespmem:s24+$0xFFFFFFF0]  }
0xb9: {  	v7 =	vld [tilespmem:s26+$0xFFFFFFF0];
	_ =	sdelay $0x1  }
0xba: {  	s28 =	sadd.s32 $0xFFFFFFC0, s22  }
0xbb: {  	v8 =	vor.u32 s28, v0  }
0xbc: {  	vm2 =	vne.s32 v8, v4;
	vm1 =	veq.s32 v6, v3  }
0xbd: {  	vm2 =	vmand vm2, vm1;
	v6 =	vsel vm1, $0x7F61B1E6, v7  }
0xbe: {  	v8 =	vmpcnt.ones.xlane vm2  }
0xbf: {  	[tilespmem:s25+$0xFFFFFFF0] =	vst v6;
	s28 =	spop (v2sf)  }
0xc0: {  	[tilespmem:s28+$0x2480] =	vst.msk vm2, v7;
	v5 =	vadd.s32 v5, v8  }
0xc1: {  	v6 =	vld [tilespmem:s24+$0x0];
	(v2sf) =	vpush v5, $0x0  }
0xc2: {  	v7 =	vld [tilespmem:s26+$0x0];
	_ =	sdelay $0x1  }
0xc3: {  	s28 =	sadd.s32 $0xFFFFFFD0, s22  }
0xc4: {  	v8 =	vor.u32 s28, v0  }
0xc5: {  	vm2 =	vne.s32 v8, v4;
	vm1 =	veq.s32 v6, v3  }
0xc6: {  	vm2 =	vmand vm2, vm1;
	v6 =	vsel vm1, $0x7F61B1E6, v7  }
0xc7: {  	[tilespmem:s25+$0x0] =	vst v6;
	v6 =	vmpcnt.ones.xlane vm2;
	_ =	sdelay $0x1  }
0xc8: {  	v5 =	vadd.s32 v5, v6  }
0xc9: {  	(v2sf) =	vpush v5, $0x0;
	_ =	sdelay $0x4  }
0xca: {  	s28 =	spop (v2sf)  }
0xcb: {  	[tilespmem:s28+$0x2480] =	vst.msk vm2, v7  }
0xcc: {  	v6 =	vld [tilespmem:s24+$0x10]  }
0xcd: {  	v7 =	vld [tilespmem:s26+$0x10];
	_ =	sdelay $0x1  }
0xce: {  	s28 =	sadd.s32 $0xFFFFFFE0, s22  }
0xcf: {  	v8 =	vor.u32 s28, v0  }
0xd0: {  	vm2 =	vne.s32 v8, v4;
	vm1 =	veq.s32 v6, v3  }
0xd1: {  	vm2 =	vmand vm2, vm1;
	v6 =	vsel vm1, $0x7F61B1E6, v7  }
0xd2: {  	[tilespmem:s25+$0x10] =	vst v6;
	v6 =	vmpcnt.ones.xlane vm2  }
0xd3: {  	s28 =	spop (v2sf)  }
0xd4: {  	[tilespmem:s28+$0x2480] =	vst.msk vm2, v7;
	v5 =	vadd.s32 v5, v6  }
0xd5: {  	v6 =	vld [tilespmem:s24+$0x20];
	(v2sf) =	vpush v5, $0x0  }
0xd6: {  	v7 =	vld [tilespmem:s26+$0x20];
	_ =	sdelay $0x1  }
0xd7: {  	s28 =	sadd.s32 $0xFFFFFFF0, s22  }
0xd8: {  	v8 =	vor.u32 s28, v0  }
0xd9: {  	vm2 =	vne.s32 v8, v4;
	vm1 =	veq.s32 v6, v3  }
0xda: {  	vm2 =	vmand vm2, vm1;
	v6 =	vsel vm1, $0x7F61B1E6, v7  }
0xdb: {  	[tilespmem:s25+$0x20] =	vst v6;
	v6 =	vmpcnt.ones.xlane vm2;
	_ =	sdelay $0x1  }
0xdc: {  	v5 =	vadd.s32 v5, v6  }
0xdd: {  	(v2sf) =	vpush v5, $0x0;
	_ =	sdelay $0x4  }
0xde: {  	s28 =	spop (v2sf)  }
0xdf: {  	[tilespmem:s28+$0x2480] =	vst.msk vm2, v7  }
0xe0: {  	v7 =	vld [tilespmem:s24+$0x30]  }
0xe1: {  	v6 =	vld [tilespmem:s26+$0x30];
	_ =	sdelay $0x2  }
.Ltmp4:
0xe2: {  	v8 =	vor.u32 s22, v0;
	(pc) =	sbr.rel @p0 .LBB2_3-.Ltmp4, $4  }
0xe3: {  	vm1 =	vne.s32 v8, v4;
	vm2 =	veq.s32 v7, v3  }
0xe4: {  	vm1 =	vmand vm1, vm2;
	v7 =	vsel vm2, $0x7F61B1E6, v6  }
0xe5: {  	[tilespmem:s25+$0x30] =	vst v7;
	v7 =	vmpcnt.ones.xlane vm1  }
0xe6: {  	s24 =	sadd.s32 $0x80, s24;
	s25 =	sadd.s32 $0x80, s25;
	s28 =	spop (v2sf)  }
0xe7: {  	v3 =	vadd.s32 v5, v7  }
0xe8: {  	(v2sf) =	vpush v3, $0x0;
	_ =	sdelay $0xe  }
0xe9: {  	s22 =	spop (v2sf)  }
0xea: {  	p0 =	slt.s32 s22, $0x1  }
.Ltmp5:
0xeb: {  	_ = 	snop;
	(pc) =	sbr.rel @p0 .LBB2_8-.Ltmp5, $2  }
0xec: {  	_ =	sdelay $0x2  }
0xed: {  	[tilespmem:s28+$0x2480] =	vst.msk vm1, v6  }
0xee: {  	s23 =	simm.s32 $0x2480  }
0xef: {  	v3 =	vld [tilespmem:s23+$0x0];
	_ =	sdelay $0x2  }
0xf0: {  	v17 =	vld [tilespmem:$0x2280]  }
0xf1: {  	v19 =	vld [tilespmem:$0x2290]  }
0xf2: {  	v20 =	vld [tilespmem:$0x22A0];
	(v2sf) =	vpush v3, $0x0  }
0xf3: {  	v21 =	vld [tilespmem:$0x22B0]  }
0xf4: {  	v23 =	vld [tilespmem:$0x22C0]  }
0xf5: {  	v25 =	vld [tilespmem:$0x22D0]  }
0xf6: {  	v26 =	vld [tilespmem:$0x22E0]  }
0xf7: {  	v29 =	vld [tilespmem:$0x22F0]  }
0xf8: {  	v30 =	vld [tilespmem:$0x2300]  }
0xf9: {  	v31 =	vld [tilespmem:$0x2310]  }
0xfa: {  	v32 =	vld [tilespmem:$0x2320]  }
0xfb: {  	v27 =	vld [tilespmem:$0x2330]  }
0xfc: {  	v28 =	vld [tilespmem:$0x2340]  }
0xfd: {  	v24 =	vld [tilespmem:$0x2350]  }
0xfe: {  	v22 =	vld [tilespmem:$0x2360]  }
0xff: {  	v18 =	vld [tilespmem:$0x2370]  }
0x100: {  	v16 =	vld [tilespmem:$0x2380]  }
0x101: {  	v13 =	vld [tilespmem:$0x2390];
	s31 =	spop (v2sf)  }
0x102: {  	v14 =	vld [tilespmem:$0x23A0];
	s23 =	sadd.f32 $2.000000030e-01, s31  }
0x103: {  	v10 =	vld [tilespmem:$0x23B0]  }
0x104: {  	v9 =	vld [tilespmem:$0x23C0];
	v3 =	vsub.f32 s23, v17  }
0x105: {  	v6 =	vld [tilespmem:$0x23D0]  }
0x106: {  	v4 =	vld [tilespmem:$0x23E0];
	v5 =	vsub.f32 s23, v20;
	v8 =	vsub.f32 s23, v19;
	v7 =	vmax.f32 v3, $0.0e+00  }
0x107: {  	v11 =	vsub.f32 s23, v25;
	v3 =	vld [tilespmem:$0x23F0];
	v7 =	vadd.f32 v7, v2  }
0x108: {  	v12 =	vsub.f32 s23, v23;
	v33 =	vsub.f32 s23, v32;
	v15 =	vmax.f32 v5, $0.0e+00;
	v5 =	vld [tilespmem:$0x2410]  }
0x109: {  	v35 =	vsub.f32 s23, v21;
	v34 =	vmax.f32 v8, $0.0e+00;
	v8 =	vld [tilespmem:$0x2430];
	v15 =	vadd.f32 v15, v7  }
0x10a: {  	p0 =	sne.s32 s22, $0x1;
	v36 =	vsub.f32 s23, v26;
	v12 =	vmax.f32 v12, $0.0e+00;
	v38 =	vmax.f32 v11, $0.0e+00;
	v11 =	vld [tilespmem:$0x2460]  }
.Ltmp6:
0x10b: {  	v2 =	vld [tilespmem:$0x2400];
	v34 =	vadd.f32 v34, v1;
	v15 =	vadd.f32 v12, v15;
	(pc) =	sbr.rel @!p0 .LBB2_7-.Ltmp6, $4  }
0x10c: {  	v37 =	vsub.f32 s23, v30;
	v35 =	vmax.f32 v35, $0.0e+00;
	v36 =	vmax.f32 v36, $0.0e+00;
	v1 =	vld [tilespmem:$0x2440]  }
0x10d: {  	v7 =	vld [tilespmem:$0x2420];
	v39 =	vadd.f32 v35, v34;
	v36 =	vadd.f32 v36, v15  }
0x10e: {  	v40 =	vmax.f32 v37, $0.0e+00;
	v35 =	vsub.f32 s23, v29;
	v34 =	vsub.f32 s23, v31;
	v12 =	vld [tilespmem:$0x2450]  }
0x10f: {  	s24 =	sadd.s32 $0xFFFFFFFF, s22;
	s25 =	simm.s32 $0x2481;
	v33 =	vmax.f32 v33, $0.0e+00;
	v37 =	vadd.f32 v38, v39;
	v15 =	vld [tilespmem:$0x2470];
	v36 =	vadd.f32 v40, v36  }
.LBB2_6:
0x110: {  	v38 =	vld [tilespmem:s25+$0x0];
	p0 =	sne.s32 s24, $0x1;
	s24 =	sadd.s32 $0xFFFFFFFF, s24;
	v35 =	vmax.f32 v35, $0.0e+00;
	v39 =	vsub.f32 s23, v28;
	v40 =	vsub.f32 s23, v22  }
0x111: {  	v33 =	vadd.f32 v33, v36;
	v35 =	vadd.f32 v35, v37  }
0x112: {  	v34 =	vmax.f32 v34, $0.0e+00;
	v36 =	vsub.f32 s23, v27;
	v37 =	vmax.f32 v39, $0.0e+00  }
0x113: {  	v34 =	vadd.f32 v34, v35;
	v33 =	vadd.f32 v37, v33  }
0x114: {  	v39 =	vsub.f32 s23, v16;
	v35 =	vsub.f32 s23, v24;
	v37 =	vmax.f32 v40, $0.0e+00  }
0x115: {  	v36 =	vmax.f32 v36, $0.0e+00;
	(v2sf) =	vpush v38, $0x0;
	v33 =	vadd.f32 v37, v33  }
0x116: {  	v34 =	vadd.f32 v36, v34;
	v36 =	vmax.f32 v39, $0.0e+00;
	v37 =	vsub.f32 s23, v14  }
0x117: {  	v35 =	vmax.f32 v35, $0.0e+00;
	v38 =	vsub.f32 s23, v18;
	v33 =	vadd.f32 v36, v33  }
0x118: {  	v34 =	vadd.f32 v35, v34;
	v35 =	vmax.f32 v37, $0.0e+00;
	v36 =	vsub.f32 s23, v9  }
0x119: {  	v37 =	vmax.f32 v38, $0.0e+00;
	v38 =	vsub.f32 s23, v13;
	v33 =	vadd.f32 v35, v33  }
0x11a: {  	v34 =	vadd.f32 v37, v34;
	v35 =	vmax.f32 v36, $0.0e+00;
	v36 =	vsub.f32 s23, v4  }
0x11b: {  	v37 =	vmax.f32 v38, $0.0e+00;
	v38 =	vsub.f32 s23, v10;
	v33 =	vadd.f32 v35, v33  }
0x11c: {  	v34 =	vadd.f32 v37, v34;
	v35 =	vmax.f32 v36, $0.0e+00;
	v36 =	vsub.f32 s23, v2  }
0x11d: {  	v37 =	vmax.f32 v38, $0.0e+00;
	v38 =	vsub.f32 s23, v6;
	v33 =	vadd.f32 v35, v33  }
0x11e: {  	v34 =	vadd.f32 v37, v34;
	v35 =	vmax.f32 v36, $0.0e+00;
	v36 =	vsub.f32 s23, v7  }
0x11f: {  	v37 =	vmax.f32 v38, $0.0e+00;
	v38 =	vsub.f32 s23, v3;
	v33 =	vadd.f32 v35, v33  }
0x120: {  	v34 =	vadd.f32 v37, v34;
	v35 =	vmax.f32 v36, $0.0e+00;
	v36 =	vsub.f32 s23, v1  }
0x121: {  	v37 =	vmax.f32 v38, $0.0e+00;
	v38 =	vsub.f32 s23, v5;
	v33 =	vadd.f32 v35, v33  }
0x122: {  	v34 =	vadd.f32 v37, v34;
	v35 =	vmax.f32 v36, $0.0e+00;
	v36 =	vsub.f32 s23, v11  }
0x123: {  	v37 =	vmax.f32 v38, $0.0e+00;
	v38 =	vsub.f32 s23, v8;
	v33 =	vadd.f32 v35, v33  }
0x124: {  	v34 =	vadd.f32 v37, v34;
	v35 =	vsub.f32 s23, v12;
	v36 =	vmax.f32 v36, $0.0e+00;
	s26 =	spop (v2sf)  }
0x125: {  	v37 =	vmax.f32 v38, $0.0e+00;
	v33 =	vadd.f32 v36, v33;
	v36 =	vsub.f32 s23, v15;
	s23 =	sadd.f32 $2.000000030e-01, s26  }
0x126: {  	v34 =	vadd.f32 v37, v34  }
0x127: {  	v37 =	vsub.f32 s23, v17;
	v38 =	vsub.f32 s23, v25  }
0x128: {  	v35 =	vmax.f32 v35, $0.0e+00;
	v39 =	vsub.f32 s23, v20;
	v40 =	vsub.f32 s23, v32  }
0x129: {  	v41 =	vsub.f32 s23, v19;
	v42 =	vsub.f32 s23, v23;
	v37 =	vmax.f32 v37, $0.0e+00  }
0x12a: {  	v34 =	vadd.f32 v35, v34;
	v35 =	vmax.f32 v36, $0.0e+00;
	v33 =	vadd.f32 v37, v33  }
0x12b: {  	v36 =	vmax.f32 v41, $0.0e+00;
	v37 =	vmax.f32 v39, $0.0e+00;
	v39 =	vsub.f32 s23, v21  }
0x12c: {  	v34 =	vadd.f32 v35, v34;
	v37 =	vadd.f32 v37, v33;
	v33 =	vmax.f32 v40, $0.0e+00  }
0x12d: {  	v35 =	vmax.f32 v42, $0.0e+00;
	v38 =	vmax.f32 v38, $0.0e+00;
	v40 =	vsub.f32 s23, v26  }
.Ltmp7:
0x12e: {  	v34 =	vadd.f32 v36, v34;
	v35 =	vadd.f32 v35, v37;
	(pc) =	sbr.rel @p0 .LBB2_6-.Ltmp7, $4  }
0x12f: {  	v36 =	vmax.f32 v39, $0.0e+00;
	v39 =	vsub.f32 s23, v30;
	v37 =	vmax.f32 v40, $0.0e+00  }
0x130: {  	v36 =	vadd.f32 v36, v34;
	v40 =	vadd.f32 v37, v35  }
0x131: {  	v34 =	vsub.f32 s23, v31;
	v39 =	vmax.f32 v39, $0.0e+00;
	v35 =	vsub.f32 s23, v29  }
0x132: {  	s25 =	sadd.s32 $0x1, s25;
	v37 =	vadd.f32 v38, v36;
	v36 =	vadd.f32 v39, v40  }
.Ltmp8:
0x133: {  	_ = 	snop;
	(pc) =	sbr.rel .LBB2_7-.Ltmp8, $1  }
0x134: {  	_ =	sdelay $0x3  }
.LBB2_9:
.Ltmp9:
0x135: {  	(pc) =	sbr.rel .LBB2_10-.Ltmp9, $4  }
0x136: {  	_ = 	snop  }
0x137: {  	_ =	swait.ge [sflag:s14], $0x1000  }
0x138: {  	[sflag:s14] =	ssyncset.done $0x0  }
0x139: {  	s20 =	simm.s32 $0x8;
	s21 =	simm.s32 $0x12F0;
	[sflag:s14] =	ssyncadd.s32 $0xFFFFF000  }
.LBB2_15:
0x13a: {  	v20 =	vsub.f32 s23, v27;
	v21 =	vsub.f32 s23, v28  }
0x13b: {  	v54 =	vadd.f32 v33, v36;
	v23 =	vsub.f32 s23, v24  }
0x13c: {  	v17 =	vmax.f32 v35, $0.0e+00;
	v22 =	vsub.f32 s23, v22;
	v18 =	vsub.f32 s23, v18  }
0x13d: {  	v16 =	vsub.f32 s23, v16;
	v17 =	vadd.f32 v17, v37  }
0x13e: {  	v19 =	vmax.f32 v34, $0.0e+00;
	v13 =	vsub.f32 s23, v13;
	v14 =	vsub.f32 s23, v14  }
0x13f: {  	v10 =	vsub.f32 s23, v10;
	v17 =	vadd.f32 v19, v17  }
0x140: {  	v9 =	vsub.f32 s23, v9;
	v6 =	vsub.f32 s23, v6;
	v20 =	vmax.f32 v20, $0.0e+00  }
0x141: {  	v4 =	vsub.f32 s23, v4;
	v17 =	vadd.f32 v20, v17  }
0x142: {  	v3 =	vsub.f32 s23, v3;
	v21 =	vmax.f32 v21, $0.0e+00;
	v55 =	vmax.f32 v23, $0.0e+00  }
0x143: {  	v19 =	vadd.f32 v21, v54;
	v17 =	vadd.f32 v55, v17  }
0x144: {  	v2 =	vsub.f32 s23, v2;
	v56 =	vmax.f32 v22, $0.0e+00;
	v18 =	vmax.f32 v18, $0.0e+00  }
0x145: {  	v19 =	vadd.f32 v56, v19;
	v17 =	vadd.f32 v18, v17  }
0x146: {  	v5 =	vsub.f32 s23, v5;
	v16 =	vmax.f32 v16, $0.0e+00;
	v13 =	vmax.f32 v13, $0.0e+00  }
0x147: {  	v16 =	vadd.f32 v16, v19;
	v13 =	vadd.f32 v13, v17  }
0x148: {  	v7 =	vsub.f32 s23, v7;
	v14 =	vmax.f32 v14, $0.0e+00;
	v10 =	vmax.f32 v10, $0.0e+00  }
0x149: {  	v14 =	vadd.f32 v14, v16;
	v10 =	vadd.f32 v10, v13  }
0x14a: {  	v58 =	vsub.f32 s23, v8;
	v9 =	vmax.f32 v9, $0.0e+00;
	v6 =	vmax.f32 v6, $0.0e+00  }
0x14b: {  	v9 =	vadd.f32 v9, v14;
	v6 =	vadd.f32 v6, v10  }
0x14c: {  	v1 =	vsub.f32 s23, v1;
	v4 =	vmax.f32 v4, $0.0e+00;
	v3 =	vmax.f32 v3, $0.0e+00  }
0x14d: {  	v4 =	vadd.f32 v4, v9;
	v3 =	vadd.f32 v3, v6  }
0x14e: {  	v60 =	vsub.f32 s23, v12;
	v2 =	vmax.f32 v2, $0.0e+00;
	v57 =	vmax.f32 v5, $0.0e+00  }
0x14f: {  	v2 =	vadd.f32 v2, v4;
	v3 =	vadd.f32 v57, v3  }
0x150: {  	v61 =	vsub.f32 s23, v11;
	v59 =	vmax.f32 v7, $0.0e+00;
	v5 =	vmax.f32 v58, $0.0e+00  }
0x151: {  	v2 =	vadd.f32 v59, v2;
	v3 =	vadd.f32 v5, v3  }
0x152: {  	v62 =	vsub.f32 s23, v15;
	v1 =	vmax.f32 v1, $0.0e+00;
	v6 =	vmax.f32 v60, $0.0e+00  }
0x153: {  	v1 =	vadd.f32 v1, v2;
	v3 =	vadd.f32 v6, v3  }
0x154: {  	v63 =	vmax.f32 v62, $0.0e+00;
	v2 =	vmax.f32 v61, $0.0e+00  }
0x155: {  	v2 =	vadd.f32 v2, v1;
	v1 =	vadd.f32 v63, v3  }
.LBB2_16:
0x156: {  	s20 =	sadd.s32 $0x1, s20  }
0x157: {  	p0 =	sne.s32 s20, $0x10  }
.Ltmp10:
0x158: {  	_ = 	snop;
	(pc) =	sbr.rel @!p0 .LBB2_17-.Ltmp10, $3  }
0x159: {  	s23 =	ssub.s32 $0x1FF, s22  }
0x15a: {  	s22 =	smul.u32 s22, s23;
	_ =	sdelay $0x1  }
0x15b: {  	s21 =	sadd.s32 $0x200, s21;
	s19 =	sadd.s32 s19, s22  }
.LBB2_10:
0x15c: {  	s23 =	sadd.s32 s4, s20  }
0x15d: {  	s22 =	simm.s32 $0x40;
	v5 =	vimm.s32 $0x0;
	v3 =	vld.msk [tilespmem:s23+$0x0 ss:$0x0], $0xffff  }
0x15e: {  	v6 =	vld [tilespmem:s22+$0xFFFFFFC0];
	(v2sf) =	vpush v5, $0x0;
	_ =	sdelay $0x2  }
0x15f: {  	s24 =	simm.s32 $0x0  }
0x160: {  	v4 =	vmov s23;
	v7 =	vor.u32 s24, v0  }
0x161: {  	vm2 =	vne.s32 v7, v4;
	vm1 =	veq.s32 v6, v3  }
0x162: {  	vm2 =	vmand vm2, vm1  }
0x163: {  	v6 =	vmpcnt.ones.xlane vm2;
	_ =	sdelay $0x1  }
0x164: {  	v5 =	vadd.s32 v5, v6;
	v6 =	vld [tilespmem:s21+$0xFFFFFF90]  }
0x165: {  	(v2sf) =	vpush v5, $0x0;
	_ =	sdelay $0x3  }
0x166: {  	s24 =	simm.s32 $0x22C0;
	v7 =	vsel vm1, $0x7F61B1E6, v6  }
0x167: {  	[tilespmem:s24+$0xFFFFFFC0] =	vst v7;
	s29 =	spop (v2sf)  }
0x168: {  	[tilespmem:s29+$0x2480] =	vst.msk vm2, v6  }
0x169: {  	v6 =	vld [tilespmem:s22+$0xFFFFFFD0];
	_ =	sdelay $0x1  }
0x16a: {  	v7 =	vld [tilespmem:s21+$0xFFFFFFA0]  }
0x16b: {  	s30 =	simm.s32 $0x10  }
0x16c: {  	v8 =	vor.u32 s30, v0  }
0x16d: {  	vm2 =	vne.s32 v8, v4;
	vm1 =	veq.s32 v6, v3  }
0x16e: {  	vm2 =	vmand vm2, vm1  }
0x16f: {  	v6 =	vsel vm1, $0x7F61B1E6, v7;
	v8 =	vmpcnt.ones.xlane vm2  }
0x170: {  	[tilespmem:s24+$0xFFFFFFD0] =	vst v6;
	s31 =	spop (v2sf)  }
0x171: {  	[tilespmem:s31+$0x2480] =	vst.msk vm2, v7;
	v5 =	vadd.s32 v5, v8  }
0x172: {  	v6 =	vld [tilespmem:s22+$0xFFFFFFE0];
	(v2sf) =	vpush v5, $0x0;
	_ =	sdelay $0x2  }
0x173: {  	s25 =	simm.s32 $0x20  }
0x174: {  	v7 =	vor.u32 s25, v0  }
0x175: {  	vm2 =	vne.s32 v7, v4;
	vm1 =	veq.s32 v6, v3  }
0x176: {  	vm2 =	vmand vm2, vm1  }
0x177: {  	v6 =	vmpcnt.ones.xlane vm2;
	_ =	sdelay $0x1  }
0x178: {  	v5 =	vadd.s32 v5, v6;
	v6 =	vld [tilespmem:s21+$0xFFFFFFB0]  }
0x179: {  	(v2sf) =	vpush v5, $0x0;
	_ =	sdelay $0x3  }
0x17a: {  	v7 =	vsel vm1, $0x7F61B1E6, v6  }
0x17b: {  	[tilespmem:s24+$0xFFFFFFE0] =	vst v7;
	s26 =	spop (v2sf)  }
0x17c: {  	[tilespmem:s26+$0x2480] =	vst.msk vm2, v6  }
0x17d: {  	v6 =	vld [tilespmem:s22+$0xFFFFFFF0];
	_ =	sdelay $0x1  }
0x17e: {  	v7 =	vld [tilespmem:s21+$0xFFFFFFC0]  }
0x17f: {  	s29 =	simm.s32 $0x30  }
0x180: {  	v8 =	vor.u32 s29, v0  }
0x181: {  	vm2 =	vne.s32 v8, v4;
	vm1 =	veq.s32 v6, v3  }
0x182: {  	vm2 =	vmand vm2, vm1  }
0x183: {  	v6 =	vsel vm1, $0x7F61B1E6, v7;
	v8 =	vmpcnt.ones.xlane vm2  }
0x184: {  	[tilespmem:s24+$0xFFFFFFF0] =	vst v6;
	s30 =	spop (v2sf)  }
0x185: {  	[tilespmem:s30+$0x2480] =	vst.msk vm2, v7;
	v5 =	vadd.s32 v5, v8  }
0x186: {  	v6 =	vld [tilespmem:s22+$0x0];
	(v2sf) =	vpush v5, $0x0;
	_ =	sdelay $0x2  }
0x187: {  	s31 =	simm.s32 $0x40  }
0x188: {  	v7 =	vor.u32 s31, v0  }
0x189: {  	vm2 =	vne.s32 v7, v4;
	vm1 =	veq.s32 v6, v3  }
0x18a: {  	vm2 =	vmand vm2, vm1  }
0x18b: {  	v6 =	vmpcnt.ones.xlane vm2;
	_ =	sdelay $0x1  }
0x18c: {  	v5 =	vadd.s32 v5, v6;
	v6 =	vld [tilespmem:s21+$0xFFFFFFD0]  }
0x18d: {  	(v2sf) =	vpush v5, $0x0;
	_ =	sdelay $0x3  }
0x18e: {  	v7 =	vsel vm1, $0x7F61B1E6, v6  }
0x18f: {  	[tilespmem:s24+$0x0] =	vst v7;
	s25 =	spop (v2sf)  }
0x190: {  	[tilespmem:s25+$0x2480] =	vst.msk vm2, v6  }
0x191: {  	v6 =	vld [tilespmem:s22+$0x10]  }
0x192: {  	v7 =	vld [tilespmem:s21+$0xFFFFFFE0];
	_ =	sdelay $0x1  }
0x193: {  	s26 =	simm.s32 $0x50  }
0x194: {  	v8 =	vor.u32 s26, v0  }
0x195: {  	vm2 =	vne.s32 v8, v4;
	vm1 =	veq.s32 v6, v3  }
0x196: {  	vm2 =	vmand vm2, vm1;
	v6 =	vsel vm1, $0x7F61B1E6, v7  }
0x197: {  	[tilespmem:s24+$0x10] =	vst v6;
	v6 =	vmpcnt.ones.xlane vm2  }
0x198: {  	s29 =	spop (v2sf)  }
0x199: {  	[tilespmem:s29+$0x2480] =	vst.msk vm2, v7;
	v5 =	vadd.s32 v5, v6  }
0x19a: {  	v6 =	vld [tilespmem:s22+$0x20];
	(v2sf) =	vpush v5, $0x0;
	_ =	sdelay $0x2  }
0x19b: {  	s30 =	simm.s32 $0x60  }
0x19c: {  	v7 =	vor.u32 s30, v0  }
0x19d: {  	vm2 =	vne.s32 v7, v4;
	vm1 =	veq.s32 v6, v3  }
0x19e: {  	vm2 =	vmand vm2, vm1  }
0x19f: {  	v6 =	vmpcnt.ones.xlane vm2;
	_ =	sdelay $0x1  }
0x1a0: {  	v5 =	vadd.s32 v5, v6;
	v6 =	vld [tilespmem:s21+$0xFFFFFFF0]  }
0x1a1: {  	(v2sf) =	vpush v5, $0x0;
	_ =	sdelay $0x3  }
0x1a2: {  	v7 =	vsel vm1, $0x7F61B1E6, v6  }
0x1a3: {  	[tilespmem:s24+$0x20] =	vst v7;
	s31 =	spop (v2sf)  }
0x1a4: {  	[tilespmem:s31+$0x2480] =	vst.msk vm2, v6  }
0x1a5: {  	v7 =	vld [tilespmem:s22+$0x30]  }
0x1a6: {  	v6 =	vld [tilespmem:s21+$0x0];
	_ =	sdelay $0x1  }
0x1a7: {  	s22 =	simm.s32 $0x70  }
0x1a8: {  	v8 =	vor.u32 s22, v0  }
0x1a9: {  	vm1 =	vne.s32 v8, v4;
	vm2 =	veq.s32 v7, v3  }
0x1aa: {  	vm1 =	vmand vm1, vm2;
	v7 =	vsel vm2, $0x7F61B1E6, v6  }
0x1ab: {  	s23 =	simm.s32 $0x0;
	s26 =	smov.u32 s21;
	[tilespmem:s24+$0x30] =	vst v7;
	v7 =	vmpcnt.ones.xlane vm1  }
0x1ac: {  	s25 =	simm.s32 $0x2340;
	s24 =	simm.s32 $0xC0;
	s28 =	spop (v2sf)  }
.LBB2_11:
0x1ad: {  	s23 =	sadd.s32 $0x8, s23;
	[tilespmem:s28+$0x2480] =	vst.msk vm1, v6;
	v5 =	vadd.s32 v5, v7;
	s22 =	sadd.s32 $0x80, s22;
	s26 =	sadd.s32 $0x80, s26  }
0x1ae: {  	v6 =	vld [tilespmem:s24+$0xFFFFFFC0];
	p0 =	slt.u32 s23, $0x18;
	(v2sf) =	vpush v5, $0x0  }
0x1af: {  	v7 =	vld [tilespmem:s26+$0xFFFFFF90];
	_ =	sdelay $0x1  }
0x1b0: {  	s28 =	sadd.s32 $0xFFFFFF90, s22  }
0x1b1: {  	v8 =	vor.u32 s28, v0  }
0x1b2: {  	vm2 =	vne.s32 v8, v4;
	vm1 =	veq.s32 v6, v3  }
0x1b3: {  	vm2 =	vmand vm2, vm1;
	v6 =	vsel vm1, $0x7F61B1E6, v7  }
0x1b4: {  	v8 =	vmpcnt.ones.xlane vm2;
	_ =	sdelay $0x1  }
0x1b5: {  	v5 =	vadd.s32 v5, v8  }
0x1b6: {  	(v2sf) =	vpush v5, $0x0;
	_ =	sdelay $0x4  }
0x1b7: {  	[tilespmem:s25+$0xFFFFFFC0] =	vst v6;
	s28 =	spop (v2sf)  }
0x1b8: {  	[tilespmem:s28+$0x2480] =	vst.msk vm2, v7  }
0x1b9: {  	v6 =	vld [tilespmem:s24+$0xFFFFFFD0]  }
0x1ba: {  	v7 =	vld [tilespmem:s26+$0xFFFFFFA0];
	_ =	sdelay $0x1  }
0x1bb: {  	s28 =	sadd.s32 $0xFFFFFFA0, s22  }
0x1bc: {  	v8 =	vor.u32 s28, v0  }
0x1bd: {  	vm2 =	vne.s32 v8, v4;
	vm1 =	veq.s32 v6, v3  }
0x1be: {  	vm2 =	vmand vm2, vm1;
	v6 =	vsel vm1, $0x7F61B1E6, v7  }
0x1bf: {  	v8 =	vmpcnt.ones.xlane vm2  }
0x1c0: {  	[tilespmem:s25+$0xFFFFFFD0] =	vst v6;
	s28 =	spop (v2sf)  }
0x1c1: {  	[tilespmem:s28+$0x2480] =	vst.msk vm2, v7;
	v5 =	vadd.s32 v5, v8  }
0x1c2: {  	v6 =	vld [tilespmem:s24+$0xFFFFFFE0];
	(v2sf) =	vpush v5, $0x0  }
0x1c3: {  	v7 =	vld [tilespmem:s26+$0xFFFFFFB0];
	_ =	sdelay $0x1  }
0x1c4: {  	s28 =	sadd.s32 $0xFFFFFFB0, s22  }
0x1c5: {  	v8 =	vor.u32 s28, v0  }
0x1c6: {  	vm2 =	vne.s32 v8, v4;
	vm1 =	veq.s32 v6, v3  }
0x1c7: {  	vm2 =	vmand vm2, vm1;
	v6 =	vsel vm1, $0x7F61B1E6, v7  }
0x1c8: {  	v8 =	vmpcnt.ones.xlane vm2;
	_ =	sdelay $0x1  }
0x1c9: {  	v5 =	vadd.s32 v5, v8  }
0x1ca: {  	(v2sf) =	vpush v5, $0x0;
	_ =	sdelay $0x4  }
0x1cb: {  	[tilespmem:s25+$0xFFFFFFE0] =	vst v6;
	s28 =	spop (v2sf)  }
0x1cc: {  	[tilespmem:s28+$0x2480] =	vst.msk vm2, v7  }
0x1cd: {  	v6 =	vld [tilespmem:s24+$0xFFFFFFF0]  }
0x1ce: {  	v7 =	vld [tilespmem:s26+$0xFFFFFFC0];
	_ =	sdelay $0x1  }
0x1cf: {  	s28 =	sadd.s32 $0xFFFFFFC0, s22  }
0x1d0: {  	v8 =	vor.u32 s28, v0  }
0x1d1: {  	vm2 =	vne.s32 v8, v4;
	vm1 =	veq.s32 v6, v3  }
0x1d2: {  	vm2 =	vmand vm2, vm1;
	v6 =	vsel vm1, $0x7F61B1E6, v7  }
0x1d3: {  	v8 =	vmpcnt.ones.xlane vm2  }
0x1d4: {  	[tilespmem:s25+$0xFFFFFFF0] =	vst v6;
	s28 =	spop (v2sf)  }
0x1d5: {  	[tilespmem:s28+$0x2480] =	vst.msk vm2, v7;
	v5 =	vadd.s32 v5, v8  }
0x1d6: {  	v6 =	vld [tilespmem:s24+$0x0];
	(v2sf) =	vpush v5, $0x0  }
0x1d7: {  	v7 =	vld [tilespmem:s26+$0xFFFFFFD0];
	_ =	sdelay $0x1  }
0x1d8: {  	s28 =	sadd.s32 $0xFFFFFFD0, s22  }
0x1d9: {  	v8 =	vor.u32 s28, v0  }
0x1da: {  	vm2 =	vne.s32 v8, v4;
	vm1 =	veq.s32 v6, v3  }
0x1db: {  	vm2 =	vmand vm2, vm1;
	v6 =	vsel vm1, $0x7F61B1E6, v7  }
0x1dc: {  	[tilespmem:s25+$0x0] =	vst v6;
	v6 =	vmpcnt.ones.xlane vm2;
	_ =	sdelay $0x1  }
0x1dd: {  	v5 =	vadd.s32 v5, v6  }
0x1de: {  	(v2sf) =	vpush v5, $0x0;
	_ =	sdelay $0x4  }
0x1df: {  	s28 =	spop (v2sf)  }
0x1e0: {  	[tilespmem:s28+$0x2480] =	vst.msk vm2, v7  }
0x1e1: {  	v6 =	vld [tilespmem:s24+$0x10]  }
0x1e2: {  	v7 =	vld [tilespmem:s26+$0xFFFFFFE0];
	_ =	sdelay $0x1  }
0x1e3: {  	s28 =	sadd.s32 $0xFFFFFFE0, s22  }
0x1e4: {  	v8 =	vor.u32 s28, v0  }
0x1e5: {  	vm2 =	vne.s32 v8, v4;
	vm1 =	veq.s32 v6, v3  }
0x1e6: {  	vm2 =	vmand vm2, vm1;
	v6 =	vsel vm1, $0x7F61B1E6, v7  }
0x1e7: {  	[tilespmem:s25+$0x10] =	vst v6;
	v6 =	vmpcnt.ones.xlane vm2  }
0x1e8: {  	s28 =	spop (v2sf)  }
0x1e9: {  	[tilespmem:s28+$0x2480] =	vst.msk vm2, v7;
	v5 =	vadd.s32 v5, v6  }
0x1ea: {  	v6 =	vld [tilespmem:s24+$0x20];
	(v2sf) =	vpush v5, $0x0  }
0x1eb: {  	v7 =	vld [tilespmem:s26+$0xFFFFFFF0];
	_ =	sdelay $0x1  }
0x1ec: {  	s28 =	sadd.s32 $0xFFFFFFF0, s22  }
0x1ed: {  	v8 =	vor.u32 s28, v0  }
0x1ee: {  	vm2 =	vne.s32 v8, v4;
	vm1 =	veq.s32 v6, v3  }
0x1ef: {  	vm2 =	vmand vm2, vm1;
	v6 =	vsel vm1, $0x7F61B1E6, v7  }
0x1f0: {  	[tilespmem:s25+$0x20] =	vst v6;
	v6 =	vmpcnt.ones.xlane vm2;
	_ =	sdelay $0x1  }
0x1f1: {  	v5 =	vadd.s32 v5, v6  }
0x1f2: {  	(v2sf) =	vpush v5, $0x0;
	_ =	sdelay $0x4  }
0x1f3: {  	s28 =	spop (v2sf)  }
0x1f4: {  	[tilespmem:s28+$0x2480] =	vst.msk vm2, v7  }
0x1f5: {  	v7 =	vld [tilespmem:s24+$0x30]  }
0x1f6: {  	v6 =	vld [tilespmem:s26+$0x0];
	_ =	sdelay $0x2  }
.Ltmp11:
0x1f7: {  	v8 =	vor.u32 s22, v0;
	(pc) =	sbr.rel @p0 .LBB2_11-.Ltmp11, $4  }
0x1f8: {  	vm1 =	vne.s32 v8, v4;
	vm2 =	veq.s32 v7, v3  }
0x1f9: {  	vm1 =	vmand vm1, vm2;
	v7 =	vsel vm2, $0x7F61B1E6, v6  }
0x1fa: {  	[tilespmem:s25+$0x30] =	vst v7;
	v7 =	vmpcnt.ones.xlane vm1  }
0x1fb: {  	s24 =	sadd.s32 $0x80, s24;
	s25 =	sadd.s32 $0x80, s25;
	s28 =	spop (v2sf)  }
0x1fc: {  	v3 =	vadd.s32 v5, v7  }
0x1fd: {  	(v2sf) =	vpush v3, $0x0;
	_ =	sdelay $0xe  }
0x1fe: {  	s22 =	spop (v2sf)  }
0x1ff: {  	p0 =	slt.s32 s22, $0x1  }
.Ltmp12:
0x200: {  	_ = 	snop;
	(pc) =	sbr.rel @p0 .LBB2_16-.Ltmp12, $2  }
0x201: {  	_ =	sdelay $0x2  }
0x202: {  	[tilespmem:s28+$0x2480] =	vst.msk vm1, v6  }
0x203: {  	s23 =	simm.s32 $0x2480  }
0x204: {  	v3 =	vld [tilespmem:s23+$0x0];
	_ =	sdelay $0x2  }
0x205: {  	v17 =	vld [tilespmem:$0x2280]  }
0x206: {  	v19 =	vld [tilespmem:$0x2290]  }
0x207: {  	v20 =	vld [tilespmem:$0x22A0];
	(v2sf) =	vpush v3, $0x0  }
0x208: {  	v21 =	vld [tilespmem:$0x22B0]  }
0x209: {  	v23 =	vld [tilespmem:$0x22C0]  }
0x20a: {  	v25 =	vld [tilespmem:$0x22D0]  }
0x20b: {  	v26 =	vld [tilespmem:$0x22E0]  }
0x20c: {  	v29 =	vld [tilespmem:$0x22F0]  }
0x20d: {  	v30 =	vld [tilespmem:$0x2300]  }
0x20e: {  	v31 =	vld [tilespmem:$0x2310]  }
0x20f: {  	v32 =	vld [tilespmem:$0x2320]  }
0x210: {  	v27 =	vld [tilespmem:$0x2330]  }
0x211: {  	v28 =	vld [tilespmem:$0x2340]  }
0x212: {  	v24 =	vld [tilespmem:$0x2350]  }
0x213: {  	v22 =	vld [tilespmem:$0x2360]  }
0x214: {  	v18 =	vld [tilespmem:$0x2370]  }
0x215: {  	v16 =	vld [tilespmem:$0x2380]  }
0x216: {  	v13 =	vld [tilespmem:$0x2390];
	s31 =	spop (v2sf)  }
0x217: {  	v14 =	vld [tilespmem:$0x23A0];
	s23 =	sadd.f32 $2.000000030e-01, s31  }
0x218: {  	v10 =	vld [tilespmem:$0x23B0]  }
0x219: {  	v9 =	vld [tilespmem:$0x23C0];
	v3 =	vsub.f32 s23, v17  }
0x21a: {  	v6 =	vld [tilespmem:$0x23D0]  }
0x21b: {  	v4 =	vld [tilespmem:$0x23E0];
	v5 =	vsub.f32 s23, v20;
	v8 =	vsub.f32 s23, v19;
	v7 =	vmax.f32 v3, $0.0e+00  }
0x21c: {  	v11 =	vsub.f32 s23, v25;
	v3 =	vld [tilespmem:$0x23F0];
	v7 =	vadd.f32 v7, v2  }
0x21d: {  	v12 =	vsub.f32 s23, v23;
	v33 =	vsub.f32 s23, v32;
	v15 =	vmax.f32 v5, $0.0e+00;
	v5 =	vld [tilespmem:$0x2410]  }
0x21e: {  	v35 =	vsub.f32 s23, v21;
	v34 =	vmax.f32 v8, $0.0e+00;
	v8 =	vld [tilespmem:$0x2430];
	v15 =	vadd.f32 v15, v7  }
0x21f: {  	p0 =	sne.s32 s22, $0x1;
	v36 =	vsub.f32 s23, v26;
	v12 =	vmax.f32 v12, $0.0e+00;
	v38 =	vmax.f32 v11, $0.0e+00;
	v11 =	vld [tilespmem:$0x2460]  }
.Ltmp13:
0x220: {  	v2 =	vld [tilespmem:$0x2400];
	v34 =	vadd.f32 v34, v1;
	v15 =	vadd.f32 v12, v15;
	(pc) =	sbr.rel @!p0 .LBB2_15-.Ltmp13, $4  }
0x221: {  	v37 =	vsub.f32 s23, v30;
	v35 =	vmax.f32 v35, $0.0e+00;
	v36 =	vmax.f32 v36, $0.0e+00;
	v1 =	vld [tilespmem:$0x2440]  }
0x222: {  	v7 =	vld [tilespmem:$0x2420];
	v39 =	vadd.f32 v35, v34;
	v36 =	vadd.f32 v36, v15  }
0x223: {  	v40 =	vmax.f32 v37, $0.0e+00;
	v35 =	vsub.f32 s23, v29;
	v34 =	vsub.f32 s23, v31;
	v12 =	vld [tilespmem:$0x2450]  }
0x224: {  	s24 =	sadd.s32 $0xFFFFFFFF, s22;
	s25 =	simm.s32 $0x2481;
	v33 =	vmax.f32 v33, $0.0e+00;
	v37 =	vadd.f32 v38, v39;
	v15 =	vld [tilespmem:$0x2470];
	v36 =	vadd.f32 v40, v36  }
.LBB2_14:
0x225: {  	v38 =	vld [tilespmem:s25+$0x0];
	p0 =	sne.s32 s24, $0x1;
	s24 =	sadd.s32 $0xFFFFFFFF, s24;
	v35 =	vmax.f32 v35, $0.0e+00;
	v39 =	vsub.f32 s23, v28;
	v40 =	vsub.f32 s23, v22  }
0x226: {  	v33 =	vadd.f32 v33, v36;
	v35 =	vadd.f32 v35, v37  }
0x227: {  	v34 =	vmax.f32 v34, $0.0e+00;
	v36 =	vsub.f32 s23, v27;
	v37 =	vmax.f32 v39, $0.0e+00  }
0x228: {  	v34 =	vadd.f32 v34, v35;
	v33 =	vadd.f32 v37, v33  }
0x229: {  	v39 =	vsub.f32 s23, v16;
	v35 =	vsub.f32 s23, v24;
	v37 =	vmax.f32 v40, $0.0e+00  }
0x22a: {  	v36 =	vmax.f32 v36, $0.0e+00;
	(v2sf) =	vpush v38, $0x0;
	v33 =	vadd.f32 v37, v33  }
0x22b: {  	v34 =	vadd.f32 v36, v34;
	v36 =	vmax.f32 v39, $0.0e+00;
	v37 =	vsub.f32 s23, v14  }
0x22c: {  	v35 =	vmax.f32 v35, $0.0e+00;
	v38 =	vsub.f32 s23, v18;
	v33 =	vadd.f32 v36, v33  }
0x22d: {  	v34 =	vadd.f32 v35, v34;
	v35 =	vmax.f32 v37, $0.0e+00;
	v36 =	vsub.f32 s23, v9  }
0x22e: {  	v37 =	vmax.f32 v38, $0.0e+00;
	v38 =	vsub.f32 s23, v13;
	v33 =	vadd.f32 v35, v33  }
0x22f: {  	v34 =	vadd.f32 v37, v34;
	v35 =	vmax.f32 v36, $0.0e+00;
	v36 =	vsub.f32 s23, v4  }
0x230: {  	v37 =	vmax.f32 v38, $0.0e+00;
	v38 =	vsub.f32 s23, v10;
	v33 =	vadd.f32 v35, v33  }
0x231: {  	v34 =	vadd.f32 v37, v34;
	v35 =	vmax.f32 v36, $0.0e+00;
	v36 =	vsub.f32 s23, v2  }
0x232: {  	v37 =	vmax.f32 v38, $0.0e+00;
	v38 =	vsub.f32 s23, v6;
	v33 =	vadd.f32 v35, v33  }
0x233: {  	v34 =	vadd.f32 v37, v34;
	v35 =	vmax.f32 v36, $0.0e+00;
	v36 =	vsub.f32 s23, v7  }
0x234: {  	v37 =	vmax.f32 v38, $0.0e+00;
	v38 =	vsub.f32 s23, v3;
	v33 =	vadd.f32 v35, v33  }
0x235: {  	v34 =	vadd.f32 v37, v34;
	v35 =	vmax.f32 v36, $0.0e+00;
	v36 =	vsub.f32 s23, v1  }
0x236: {  	v37 =	vmax.f32 v38, $0.0e+00;
	v38 =	vsub.f32 s23, v5;
	v33 =	vadd.f32 v35, v33  }
0x237: {  	v34 =	vadd.f32 v37, v34;
	v35 =	vmax.f32 v36, $0.0e+00;
	v36 =	vsub.f32 s23, v11  }
0x238: {  	v37 =	vmax.f32 v38, $0.0e+00;
	v38 =	vsub.f32 s23, v8;
	v33 =	vadd.f32 v35, v33  }
0x239: {  	v34 =	vadd.f32 v37, v34;
	v35 =	vsub.f32 s23, v12;
	v36 =	vmax.f32 v36, $0.0e+00;
	s26 =	spop (v2sf)  }
0x23a: {  	v37 =	vmax.f32 v38, $0.0e+00;
	v33 =	vadd.f32 v36, v33;
	v36 =	vsub.f32 s23, v15;
	s23 =	sadd.f32 $2.000000030e-01, s26  }
0x23b: {  	v34 =	vadd.f32 v37, v34  }
0x23c: {  	v37 =	vsub.f32 s23, v17;
	v38 =	vsub.f32 s23, v25  }
0x23d: {  	v35 =	vmax.f32 v35, $0.0e+00;
	v39 =	vsub.f32 s23, v20;
	v40 =	vsub.f32 s23, v32  }
0x23e: {  	v41 =	vsub.f32 s23, v19;
	v42 =	vsub.f32 s23, v23;
	v37 =	vmax.f32 v37, $0.0e+00  }
0x23f: {  	v34 =	vadd.f32 v35, v34;
	v35 =	vmax.f32 v36, $0.0e+00;
	v33 =	vadd.f32 v37, v33  }
0x240: {  	v36 =	vmax.f32 v41, $0.0e+00;
	v37 =	vmax.f32 v39, $0.0e+00;
	v39 =	vsub.f32 s23, v21  }
0x241: {  	v34 =	vadd.f32 v35, v34;
	v37 =	vadd.f32 v37, v33;
	v33 =	vmax.f32 v40, $0.0e+00  }
0x242: {  	v35 =	vmax.f32 v42, $0.0e+00;
	v38 =	vmax.f32 v38, $0.0e+00;
	v40 =	vsub.f32 s23, v26  }
.Ltmp14:
0x243: {  	v34 =	vadd.f32 v36, v34;
	v35 =	vadd.f32 v35, v37;
	(pc) =	sbr.rel @p0 .LBB2_14-.Ltmp14, $4  }
0x244: {  	v36 =	vmax.f32 v39, $0.0e+00;
	v39 =	vsub.f32 s23, v30;
	v37 =	vmax.f32 v40, $0.0e+00  }
0x245: {  	v36 =	vadd.f32 v36, v34;
	v40 =	vadd.f32 v37, v35  }
0x246: {  	v34 =	vsub.f32 s23, v31;
	v39 =	vmax.f32 v39, $0.0e+00;
	v35 =	vsub.f32 s23, v29  }
0x247: {  	s25 =	sadd.s32 $0x1, s25;
	v37 =	vadd.f32 v38, v36;
	v36 =	vadd.f32 v39, v40  }
.Ltmp15:
0x248: {  	_ = 	snop;
	(pc) =	sbr.rel .LBB2_15-.Ltmp15, $1  }
0x249: {  	_ =	sdelay $0x3  }
.LBB2_18:
0x24a: {  	_ =	sfence.sel $0x180000  }
0x24b: {  	[bflag:$0x0] =	sbarrier.arrive $0xFFFF  }
0x24c: {  	p0 =	sne.s32 s1, $0x0;
	_ =	strace $0x90000047  }
0x24d: {  	s0 =	sadd.s32 @!p0 $0x100000, s0;
	[bflag:$0x2] =	sbarrier.arrive $0xFFFF  }
0x24e: {  	[sflag:s0] =	ssyncadd.tile.s32 @!p0 $0x1;
	_ =	shalt  }
.Lfunc_end2:
_tile_overlayer_lowered:
.L_overlay_start_2:
0x24f: {  	(tag) =	ssettag $0x2  }
0x250: {  	s0 =	rddreg [dreg:$0x0];
	s2 =	stileid.u32  }
0x251: {  	s1 =	rddreg [dreg:$0x1];
	p0 =	sne.s32 s2, $0x0  }
0x252: {  	s3 =	rddreg [dreg:$0x2];
	[bflag:$0x3] =	sbarrier.arrive $0xFFFF;
	s2 =	simm.s32 @!p0 $0x1C04  }
0x253: {  	[timem:s3], [sflag:s2] =	dma.local @!p0 [hbm:s0], s1  }
0x254: {  	s0 =	simm.s32 @!p0 $0x4  }
0x255: {  	_ =	swait.ge @!p0 [sflag:s0], s1  }
0x256: {  	s1 =	ssub.s32 @!p0 $0x0, s1;
	[sflag:s0] =	ssyncset.done @!p0 $0x0  }
0x257: {  	[sflag:s0] =	ssyncadd.s32 @!p0 s1  }
0x258: {  	[bflag:$0x3] =	sbarrier.arrive $0xFFFF  }
0x259: {  	_ =	shalt  }

</sc_bundles>
